<compile_context>
chip_gen: v7x
topology: tpu7x:2x2x1
jax: 0.10.2.dev20260603
libtpu: 0.0.44.dev20260713+nightly
codegen_flags: <defaults>
</compile_context>

<pallas_src>
import functools

import jax
import jax.numpy as jnp
from jax import lax
from jax.experimental import pallas as pl
from jax.experimental.pallas import tpu as pltpu
from jax.experimental.pallas import tpu_sc as plsc

_N_PTS = 1048576
_NW = 32
_P_TILE = _N_PTS // _NW
_C = 1024
_G = _C // 16
_N_CHUNK = _P_TILE // _C
_NROW = 4 * _C // 128

_S1, _S2, _S3, _S4 = 4096, 2048, 1024, 512
_OFF3, _OFF4 = 767, 383
_Q3, _Q4 = 257, 129


def _coords(xs, s):
    i = ((xs + 1.0) * float(s) - 1.0) * 0.5
    i0 = i.astype(jnp.int32)
    f = i - i0.astype(jnp.float32)
    return i0, f


def _sc_body(x0_hbm, x1_hbm, t1, t2, t3p, t4p, out_hbm,
             x0_v, x1_v, idx1_v, idx2_v, val1_v, val2_v,
             fx_v, fxe_v, fy_v, fye_v, t3_v, t4_v, acc_v, sem):
    cid = lax.axis_index("c")
    sid = lax.axis_index("s")
    wid = sid * 2 + cid
    base = wid * _P_TILE

    pltpu.sync_copy(t3p, t3_v)
    pltpu.sync_copy(t4p, t4_v)

    def chunk_body(ci, carry):
        off = base + ci * _C
        pltpu.sync_copy(x0_hbm.at[pl.ds(off, _C)], x0_v)
        pltpu.sync_copy(x1_hbm.at[pl.ds(off, _C)], x1_v)

        def grp_body(g, c2):
            p = g * 16
            r8 = g // 8
            co = (g % 8) * 16
            xsx = x0_v[pl.ds(p, 16)] * 0.5 + 0.5
            xsy = x1_v[pl.ds(p, 16)] * 0.5 + 0.5
            for lvl, (s, idx_v) in enumerate(((_S1, idx1_v), (_S2, idx2_v))):
                ix0, fx = _coords(xsx, s)
                iy0, fy = _coords(xsy, s)
                dx = jnp.minimum(ix0 + 1, s - 1) - ix0
                dy = jnp.minimum(iy0 + 1, s - 1) - iy0
                i00 = iy0 * s + ix0
                i10 = i00 + dy * s
                idx_v[r8, pl.ds(co, 16)] = i00
                idx_v[8 + r8, pl.ds(co, 16)] = i00 + dx
                idx_v[16 + r8, pl.ds(co, 16)] = i10
                idx_v[24 + r8, pl.ds(co, 16)] = i10 + dx
                fx_v[pl.ds(lvl * _C + p, 16)] = fx
                fxe_v[pl.ds(lvl * _C + p, 16)] = fx * dx.astype(jnp.float32)
                fy_v[pl.ds(lvl * _C + p, 16)] = fy
                fye_v[pl.ds(lvl * _C + p, 16)] = fy * dy.astype(jnp.float32)
            return c2

        lax.fori_loop(0, _G, grp_body, 0)

        for idx_v, val_v, tex in ((idx1_v, val1_v, t1), (idx2_v, val2_v, t2)):
            def fire(j, c2, idx_v=idx_v, val_v=val_v, tex=tex):
                pltpu.async_copy(tex.at[idx_v.at[j]],
                                 val_v.at[pl.ds(j * 128, 128)], sem)
                return c2

            lax.fori_loop(0, _NROW, fire, 0)

        def acc34_body(g, c2):
            p = g * 16
            xsx = x0_v[pl.ds(p, 16)] * 0.5 + 0.5
            xsy = x1_v[pl.ds(p, 16)] * 0.5 + 0.5
            total = jnp.zeros((16,), jnp.float32)
            for s, q, o, t_v in ((_S3, _Q3 + 1, _OFF3, t3_v),
                                 (_S4, _Q4 + 1, _OFF4, t4_v)):
                ix0, fx = _coords(xsx, s)
                iy0, fy = _coords(xsy, s)
                i00 = iy0 * q + ix0 - (o * q + o)
                v00 = plsc.load_gather(t_v, [i00])
                v01 = plsc.load_gather(t_v, [i00 + 1])
                v10 = plsc.load_gather(t_v, [i00 + q])
                v11 = plsc.load_gather(t_v, [i00 + (q + 1)])
                wx0 = 1.0 - fx
                total = total + ((v00 * wx0 + v01 * fx) * (1.0 - fy)
                                 + (v10 * wx0 + v11 * fx) * fy)
            acc_v[pl.ds(p, 16)] = total
            return c2

        lax.fori_loop(0, _G, acc34_body, 0)

        def drain(j, c2):
            pltpu.make_async_copy(t1.at[idx1_v.at[0]],
                                  val1_v.at[pl.ds(0, 128)], sem).wait()
            return c2

        lax.fori_loop(0, 2 * _NROW, drain, 0)

        def acc12_body(g, c2):
            p = g * 16
            total = acc_v[pl.ds(p, 16)]
            for lvl, val_v in enumerate((val1_v, val2_v)):
                fx = fx_v[pl.ds(lvl * _C + p, 16)]
                fxe = fxe_v[pl.ds(lvl * _C + p, 16)]
                fy = fy_v[pl.ds(lvl * _C + p, 16)]
                fye = fye_v[pl.ds(lvl * _C + p, 16)]
                v00 = val_v[pl.ds(p, 16)]
                v01 = val_v[pl.ds(_C + p, 16)]
                v10 = val_v[pl.ds(2 * _C + p, 16)]
                v11 = val_v[pl.ds(3 * _C + p, 16)]
                wx0 = 1.0 - fx
                total = total + ((v00 * wx0 + v01 * fxe) * (1.0 - fy)
                                 + (v10 * wx0 + v11 * fxe) * fye)
            acc_v[pl.ds(p, 16)] = total
            return c2

        lax.fori_loop(0, _G, acc12_body, 0)
        pltpu.sync_copy(acc_v, out_hbm.at[pl.ds(off, _C)])
        return carry

    lax.fori_loop(0, _N_CHUNK, chunk_body, 0)


_mesh = plsc.VectorSubcoreMesh(core_axis_name="c", subcore_axis_name="s")

_sc_call = functools.partial(
    pl.kernel,
    mesh=_mesh,
    compiler_params=pltpu.CompilerParams(
        needs_layout_passes=False, use_tc_tiling_on_sc=False),
    out_type=jax.ShapeDtypeStruct((_N_PTS,), jnp.float32),
    scratch_types=[
        pltpu.VMEM((_C,), jnp.float32),
        pltpu.VMEM((_C,), jnp.float32),
        pltpu.VMEM((_NROW, 128), jnp.int32),
        pltpu.VMEM((_NROW, 128), jnp.int32),
        pltpu.VMEM((4 * _C,), jnp.float32),
        pltpu.VMEM((4 * _C,), jnp.float32),
        pltpu.VMEM((2 * _C,), jnp.float32),
        pltpu.VMEM((2 * _C,), jnp.float32),
        pltpu.VMEM((2 * _C,), jnp.float32),
        pltpu.VMEM((2 * _C,), jnp.float32),
        pltpu.VMEM(((_Q3 + 1) * (_Q3 + 1),), jnp.float32),
        pltpu.VMEM(((_Q4 + 1) * (_Q4 + 1),), jnp.float32),
        pltpu.VMEM((_C,), jnp.float32),
        pltpu.SemaphoreType.DMA,
    ],
)(_sc_body)


def _plain_table(layer, off):
    return jnp.pad(layer[off:, off:], ((0, 1), (0, 1))).reshape(-1)


def kernel(x, layer1, layer2, layer3, layer4):
    x0 = x[:, 0] + 0.0
    x1 = x[:, 1] + 0.0
    t3p = _plain_table(layer3, _OFF3)
    t4p = _plain_table(layer4, _OFF4)
    return _sc_call(x0, x1, layer1.reshape(-1), layer2.reshape(-1), t3p, t4p)

# --- scband reference (transcript-rebuilt; emitter-appended) ---
"""Pipeline reference for scband-texture-2130303779116 (READ-ONLY COPY).

The authoritative reference and input builder live on the scoring server;
editing this copy changes nothing except your own understanding.
"""

import jax, jax.numpy as jnp
import numpy as np

W = 4096
H = 4096
N_PTS = 1048576


def grid_sample_2d(tex, coords):
    # tex: (Wt, Ht) single-channel texture; coords: (N, 2) in grid_sample's [-1, 1] convention
    # coords[:, 0] = x indexes dim 1 (Ht), coords[:, 1] = y indexes dim 0 (Wt)
    # bilinear, align_corners=False, zero padding (torch defaults)
    Wt, Ht = tex.shape
    x = coords[:, 0]
    y = coords[:, 1]
    ix = ((x + 1.0) * Ht - 1.0) / 2.0
    iy = ((y + 1.0) * Wt - 1.0) / 2.0
    ix0 = jnp.floor(ix)
    iy0 = jnp.floor(iy)
    ix1 = ix0 + 1.0
    iy1 = iy0 + 1.0
    wx1 = ix - ix0
    wx0 = 1.0 - wx1
    wy1 = iy - iy0
    wy0 = 1.0 - wy1

    def gather(yy, xx):
        valid = (xx >= 0) & (xx <= Ht - 1) & (yy >= 0) & (yy <= Wt - 1)
        xx_c = jnp.clip(xx, 0, Ht - 1).astype(jnp.int32)
        yy_c = jnp.clip(yy, 0, Wt - 1).astype(jnp.int32)
        vals = tex[yy_c, xx_c]
        return jnp.where(valid, vals, 0.0)

    out = (gather(iy0, ix0) * wy0 * wx0
           + gather(iy0, ix1) * wy0 * wx1
           + gather(iy1, ix0) * wy1 * wx0
           + gather(iy1, ix1) * wy1 * wx1)
    return out


def setup_inputs(seed: int = 0) -> dict:
    key = jax.random.key(seed)
    k1, k2, k3, k4, k5 = jax.random.split(key, 5)
    x = jax.random.uniform(k1, (N_PTS, 2), dtype=jnp.float32)
    layer1 = jax.random.normal(k2, (W, H), dtype=jnp.float32)
    layer2 = jax.random.normal(k3, (W // 2, H // 2), dtype=jnp.float32)
    layer3 = jax.random.normal(k4, (W // 4, H // 4), dtype=jnp.float32)
    layer4 = jax.random.normal(k5, (W // 8, H // 8), dtype=jnp.float32)
    return {"x": x, "layer1": layer1, "layer2": layer2, "layer3": layer3, "layer4": layer4}


def reference(x, layer1, layer2, layer3, layer4):
    # Faithful translation of Texture.forward: rescale coords, sample each pyramid
    # level with grid_sample, and sum the results.
    xs = x * 0.5 + 0.5
    y1 = grid_sample_2d(layer1, xs)
    y2 = grid_sample_2d(layer2, xs)
    y3 = grid_sample_2d(layer3, xs)
    y4 = grid_sample_2d(layer4, xs)
    return y1 + y2 + y3 + y4

if __name__ == "__main__":
    import jax
    _d = setup_inputs()
    print(jax.jit(kernel)(*tuple(_d.values())))

</pallas_src>

<mosaic_0001>
#map = affine_map<(d0, d1) -> (0)>
module attributes {stable_mosaic.version = 14 : i64} {
  func.func @_sc_body(%arg0: i32, %arg1: i32, %arg2: memref<1048576xf32, #tpu.memory_space<hbm>>, %arg3: memref<1048576xf32, #tpu.memory_space<hbm>>, %arg4: memref<16777216xf32, #tpu.memory_space<hbm>>, %arg5: memref<4194304xf32, #tpu.memory_space<hbm>>, %arg6: memref<66564xf32, #tpu.memory_space<hbm>>, %arg7: memref<16900xf32, #tpu.memory_space<hbm>>, %arg8: memref<1048576xf32, #tpu.memory_space<hbm>>, %arg9: memref<1024xf32, #tpu.memory_space<vmem>>, %arg10: memref<1024xf32, #tpu.memory_space<vmem>>, %arg11: memref<32x128xi32, #tpu.memory_space<vmem>>, %arg12: memref<32x128xi32, #tpu.memory_space<vmem>>, %arg13: memref<4096xf32, #tpu.memory_space<vmem>>, %arg14: memref<4096xf32, #tpu.memory_space<vmem>>, %arg15: memref<2048xf32, #tpu.memory_space<vmem>>, %arg16: memref<2048xf32, #tpu.memory_space<vmem>>, %arg17: memref<2048xf32, #tpu.memory_space<vmem>>, %arg18: memref<2048xf32, #tpu.memory_space<vmem>>, %arg19: memref<66564xf32, #tpu.memory_space<vmem>>, %arg20: memref<16900xf32, #tpu.memory_space<vmem>>, %arg21: memref<1024xf32, #tpu.memory_space<vmem>>, %arg22: memref<!tpu.dma_semaphore, #tpu.memory_space<semaphore_mem>>) attributes {dimension_semantics = [#tpu.dimension_semantics<core_parallel>, #tpu.dimension_semantics<subcore_parallel>], iteration_bounds = array<i64: 2, 16>, scalar_prefetch = 0 : i64, scratch_operands = 14 : i64, tpu.core_type = #tpu.core_type<sc_vector_subcore>, window_params = [{transform_indices = #map}, {transform_indices = #map}, {transform_indices = #map}, {transform_indices = #map}, {transform_indices = #map}, {transform_indices = #map}, {transform_indices = #map}]} {
    %mul3A = arith.constant 2 : i32
    %mul3A_0 = arith.muli %arg1, %mul3A : i32
    %add3A = arith.addi %mul3A_0, %arg0 : i32
    %mul3A_1 = arith.constant 32768 : i32
    %mul3A_2 = arith.muli %add3A, %mul3A_1 : i32
    "tpu.region"() ({
      %run_scoped3A = tpu.sem_alloc : memref<!tpu.dma_semaphore, #tpu.memory_space<semaphore_mem>>
      tpu.enqueue_dma source(%arg6 : memref<66564xf32, #tpu.memory_space<hbm>>) target(%arg19 : memref<66564xf32, #tpu.memory_space<vmem>>) target_semaphore(%run_scoped3A : memref<!tpu.dma_semaphore, #tpu.memory_space<semaphore_mem>>)
      tpu.wait_dma2 semaphore(%run_scoped3A : memref<!tpu.dma_semaphore, #tpu.memory_space<semaphore_mem>>) src(%arg6 : memref<66564xf32, #tpu.memory_space<hbm>>) dst(%arg19 : memref<66564xf32, #tpu.memory_space<vmem>>)
      tpu.yield
    }) : () -> ()
    "tpu.region"() ({
      %run_scoped3A = tpu.sem_alloc : memref<!tpu.dma_semaphore, #tpu.memory_space<semaphore_mem>>
      tpu.enqueue_dma source(%arg7 : memref<16900xf32, #tpu.memory_space<hbm>>) target(%arg20 : memref<16900xf32, #tpu.memory_space<vmem>>) target_semaphore(%run_scoped3A : memref<!tpu.dma_semaphore, #tpu.memory_space<semaphore_mem>>)
      tpu.wait_dma2 semaphore(%run_scoped3A : memref<!tpu.dma_semaphore, #tpu.memory_space<semaphore_mem>>) src(%arg7 : memref<16900xf32, #tpu.memory_space<hbm>>) dst(%arg20 : memref<16900xf32, #tpu.memory_space<vmem>>)
      tpu.yield
    }) : () -> ()
    %scan3A = arith.constant 0 : i32
    %scan3A_3 = arith.constant 0 : i32
    %scan3A_4 = arith.constant 32 : i32
    %scan3A_5 = arith.addi %scan3A_3, %scan3A_4 : i32
    %scan3A_6 = arith.constant 1 : i32
    scf.for %scan3A_8 = %scan3A_3 to %scan3A_5 step %scan3A_6  : i32 {
      %mul3A_9 = arith.constant 1024 : i32
      %mul3A_10 = arith.muli %scan3A_8, %mul3A_9 : i32
      %add3A_11 = arith.addi %mul3A_2, %mul3A_10 : i32
      "tpu.region"() ({
        %run_scoped3A = tpu.sem_alloc : memref<!tpu.dma_semaphore, #tpu.memory_space<semaphore_mem>>
        %dma_start3A = tpu.memref_slice %arg2[%add3A_11] : memref<1048576xf32, #tpu.memory_space<hbm>> -> memref<1024xf32, #tpu.memory_space<hbm>>
        %dma_start3A_48 = tpu.memref_slice %arg2[%add3A_11] : memref<1048576xf32, #tpu.memory_space<hbm>> -> memref<1024xf32, #tpu.memory_space<hbm>>
        tpu.enqueue_dma source(%dma_start3A_48 : memref<1024xf32, #tpu.memory_space<hbm>>) target(%arg9 : memref<1024xf32, #tpu.memory_space<vmem>>) target_semaphore(%run_scoped3A : memref<!tpu.dma_semaphore, #tpu.memory_space<semaphore_mem>>)
        %dma_wait3A = tpu.memref_slice %arg2[%add3A_11] : memref<1048576xf32, #tpu.memory_space<hbm>> -> memref<1024xf32, #tpu.memory_space<hbm>>
        %dma_wait3A_49 = tpu.memref_slice %arg2[%add3A_11] : memref<1048576xf32, #tpu.memory_space<hbm>> -> memref<1024xf32, #tpu.memory_space<hbm>>
        tpu.wait_dma2 semaphore(%run_scoped3A : memref<!tpu.dma_semaphore, #tpu.memory_space<semaphore_mem>>) src(%dma_wait3A_49 : memref<1024xf32, #tpu.memory_space<hbm>>) dst(%arg9 : memref<1024xf32, #tpu.memory_space<vmem>>)
        tpu.yield
      }) : () -> ()
      "tpu.region"() ({
        %run_scoped3A = tpu.sem_alloc : memref<!tpu.dma_semaphore, #tpu.memory_space<semaphore_mem>>
        %dma_start3A = tpu.memref_slice %arg3[%add3A_11] : memref<1048576xf32, #tpu.memory_space<hbm>> -> memref<1024xf32, #tpu.memory_space<hbm>>
        %dma_start3A_48 = tpu.memref_slice %arg3[%add3A_11] : memref<1048576xf32, #tpu.memory_space<hbm>> -> memref<1024xf32, #tpu.memory_space<hbm>>
        tpu.enqueue_dma source(%dma_start3A_48 : memref<1024xf32, #tpu.memory_space<hbm>>) target(%arg10 : memref<1024xf32, #tpu.memory_space<vmem>>) target_semaphore(%run_scoped3A : memref<!tpu.dma_semaphore, #tpu.memory_space<semaphore_mem>>)
        %dma_wait3A = tpu.memref_slice %arg3[%add3A_11] : memref<1048576xf32, #tpu.memory_space<hbm>> -> memref<1024xf32, #tpu.memory_space<hbm>>
        %dma_wait3A_49 = tpu.memref_slice %arg3[%add3A_11] : memref<1048576xf32, #tpu.memory_space<hbm>> -> memref<1024xf32, #tpu.memory_space<hbm>>
        tpu.wait_dma2 semaphore(%run_scoped3A : memref<!tpu.dma_semaphore, #tpu.memory_space<semaphore_mem>>) src(%dma_wait3A_49 : memref<1024xf32, #tpu.memory_space<hbm>>) dst(%arg10 : memref<1024xf32, #tpu.memory_space<vmem>>)
        tpu.yield
      }) : () -> ()
      %scan3A_12 = arith.constant 0 : i32
      %scan3A_13 = arith.constant 0 : i32
      %scan3A_14 = arith.constant 64 : i32
      %scan3A_15 = arith.addi %scan3A_13, %scan3A_14 : i32
      %scan3A_16 = arith.constant 1 : i32
      scf.for %scan3A_48 = %scan3A_13 to %scan3A_15 step %scan3A_16  : i32 {
        %mul3A_49 = arith.constant 16 : i32
        %mul3A_50 = arith.muli %scan3A_48, %mul3A_49 : i32
        %jit3A = arith.constant 8 : i32
        %div3A = arith.divsi %scan3A_48, %jit3A : i32
        %sign3A = arith.constant 0 : i32
        %sign3A_51 = arith.cmpi sgt, %scan3A_48, %sign3A : i32
        %sign3A_52 = arith.extui %sign3A_51 : i1 to i32
        %sign3A_53 = arith.constant 0 : i32
        %sign3A_54 = arith.cmpi slt, %scan3A_48, %sign3A_53 : i32
        %sign3A_55 = arith.extui %sign3A_54 : i1 to i32
        %sign3A_56 = arith.subi %sign3A_52, %sign3A_55 : i32
        %sign3A_57 = arith.constant 0 : i32
        %sign3A_58 = arith.cmpi sgt, %jit3A, %sign3A_57 : i32
        %sign3A_59 = arith.extui %sign3A_58 : i1 to i32
        %sign3A_60 = arith.constant 0 : i32
        %sign3A_61 = arith.cmpi slt, %jit3A, %sign3A_60 : i32
        %sign3A_62 = arith.extui %sign3A_61 : i1 to i32
        %sign3A_63 = arith.subi %sign3A_59, %sign3A_62 : i32
        %ne3A = arith.cmpi ne, %sign3A_56, %sign3A_63 : i32
        %rem3A = arith.remsi %scan3A_48, %jit3A : i32
        %ne3A_64 = arith.constant 0 : i32
        %ne3A_65 = arith.cmpi ne, %rem3A, %ne3A_64 : i32
        %and3A = arith.andi %ne3A, %ne3A_65 : i1
        %sub3A = arith.constant 1 : i32
        %sub3A_66 = arith.subi %div3A, %sub3A : i32
        %select_n3A = arith.select %and3A, %sub3A_66, %div3A : i32
        %jit3A_67 = arith.constant 8 : i32
        %eq3A = arith.constant 0 : i32
        %eq3A_68 = arith.cmpi eq, %jit3A_67, %eq3A : i32
        %jit3A_69 = arith.constant 1 : i32
        %select_n3A_70 = arith.select %eq3A_68, %jit3A_69, %jit3A_67 : i32
        %rem3A_71 = arith.remsi %scan3A_48, %select_n3A_70 : i32
        %ne3A_72 = arith.constant 0 : i32
        %ne3A_73 = arith.cmpi ne, %rem3A_71, %ne3A_72 : i32
        %lt3A = arith.constant 0 : i32
        %lt3A_74 = arith.cmpi slt, %rem3A_71, %lt3A : i32
        %lt3A_75 = arith.constant 0 : i32
        %lt3A_76 = arith.cmpi slt, %select_n3A_70, %lt3A_75 : i32
        %ne3A_77 = arith.xori %lt3A_74, %lt3A_76 : i1
        %and3A_78 = arith.andi %ne3A_77, %ne3A_73 : i1
        %add3A_79 = arith.addi %rem3A_71, %select_n3A_70 : i32
        %select_n3A_80 = arith.select %and3A_78, %add3A_79, %rem3A_71 : i32
        %mul3A_81 = arith.constant 16 : i32
        %mul3A_82 = arith.muli %select_n3A_80, %mul3A_81 : i32
        %get3A = arith.index_cast %mul3A_50 : i32 to index
        %get3A_83 = tpu.vector_load %arg9[%get3A] {strides = array<i32>} : memref<1024xf32, #tpu.memory_space<vmem>>, vector<16xf32>,
        %mul3A_84 = arith.constant 5.000000e-01 : f32
        %mul3A_85 = vector.broadcast %mul3A_84 : f32 to vector<16xf32>
        %mul3A_86 = arith.mulf %get3A_83, %mul3A_85 : vector<16xf32>
        %add3A_87 = arith.constant 5.000000e-01 : f32
        %add3A_88 = vector.broadcast %add3A_87 : f32 to vector<16xf32>
        %add3A_89 = arith.addf %mul3A_86, %add3A_88 : vector<16xf32>
        %get3A_90 = arith.index_cast %mul3A_50 : i32 to index
        %get3A_91 = tpu.vector_load %arg10[%get3A_90] {strides = array<i32>} : memref<1024xf32, #tpu.memory_space<vmem>>, vector<16xf32>,
        %mul3A_92 = arith.constant 5.000000e-01 : f32
        %mul3A_93 = vector.broadcast %mul3A_92 : f32 to vector<16xf32>
        %mul3A_94 = arith.mulf %get3A_91, %mul3A_93 : vector<16xf32>
        %add3A_95 = arith.constant 5.000000e-01 : f32
        %add3A_96 = vector.broadcast %add3A_95 : f32 to vector<16xf32>
        %add3A_97 = arith.addf %mul3A_94, %add3A_96 : vector<16xf32>
        %add3A_98 = arith.constant 1.000000e+00 : f32
        %add3A_99 = vector.broadcast %add3A_98 : f32 to vector<16xf32>
        %add3A_100 = arith.addf %add3A_89, %add3A_99 : vector<16xf32>
        %mul3A_101 = arith.constant 4.096000e+03 : f32
        %mul3A_102 = vector.broadcast %mul3A_101 : f32 to vector<16xf32>
        %mul3A_103 = arith.mulf %add3A_100, %mul3A_102 : vector<16xf32>
        %sub3A_104 = arith.constant 1.000000e+00 : f32
        %sub3A_105 = vector.broadcast %sub3A_104 : f32 to vector<16xf32>
        %sub3A_106 = arith.subf %mul3A_103, %sub3A_105 : vector<16xf32>
        %mul3A_107 = arith.constant 5.000000e-01 : f32
        %mul3A_108 = vector.broadcast %mul3A_107 : f32 to vector<16xf32>
        %mul3A_109 = arith.mulf %sub3A_106, %mul3A_108 : vector<16xf32>
        %convert_element_type3A = arith.fptosi %mul3A_109 : vector<16xf32> to vector<16xi32>
        %convert_element_type3A_110 = arith.sitofp %convert_element_type3A : vector<16xi32> to vector<16xf32>
        %sub3A_111 = arith.subf %mul3A_109, %convert_element_type3A_110 : vector<16xf32>
        %add3A_112 = arith.constant 1.000000e+00 : f32
        %add3A_113 = vector.broadcast %add3A_112 : f32 to vector<16xf32>
        %add3A_114 = arith.addf %add3A_97, %add3A_113 : vector<16xf32>
        %mul3A_115 = arith.constant 4.096000e+03 : f32
        %mul3A_116 = vector.broadcast %mul3A_115 : f32 to vector<16xf32>
        %mul3A_117 = arith.mulf %add3A_114, %mul3A_116 : vector<16xf32>
        %sub3A_118 = arith.constant 1.000000e+00 : f32
        %sub3A_119 = vector.broadcast %sub3A_118 : f32 to vector<16xf32>
        %sub3A_120 = arith.subf %mul3A_117, %sub3A_119 : vector<16xf32>
        %mul3A_121 = arith.constant 5.000000e-01 : f32
        %mul3A_122 = vector.broadcast %mul3A_121 : f32 to vector<16xf32>
        %mul3A_123 = arith.mulf %sub3A_120, %mul3A_122 : vector<16xf32>
        %convert_element_type3A_124 = arith.fptosi %mul3A_123 : vector<16xf32> to vector<16xi32>
        %convert_element_type3A_125 = arith.sitofp %convert_element_type3A_124 : vector<16xi32> to vector<16xf32>
        %sub3A_126 = arith.subf %mul3A_123, %convert_element_type3A_125 : vector<16xf32>
        %add3A_127 = arith.constant 1 : i32
        %add3A_128 = vector.broadcast %add3A_127 : i32 to vector<16xi32>
        %add3A_129 = arith.addi %convert_element_type3A, %add3A_128 : vector<16xi32>
        %min3A = arith.constant 4095 : i32
        %min3A_130 = vector.broadcast %min3A : i32 to vector<16xi32>
        %min3A_131 = arith.minsi %add3A_129, %min3A_130 : vector<16xi32>
        %sub3A_132 = arith.subi %min3A_131, %convert_element_type3A : vector<16xi32>
        %add3A_133 = arith.constant 1 : i32
        %add3A_134 = vector.broadcast %add3A_133 : i32 to vector<16xi32>
        %add3A_135 = arith.addi %convert_element_type3A_124, %add3A_134 : vector<16xi32>
        %min3A_136 = arith.constant 4095 : i32
        %min3A_137 = vector.broadcast %min3A_136 : i32 to vector<16xi32>
        %min3A_138 = arith.minsi %add3A_135, %min3A_137 : vector<16xi32>
        %sub3A_139 = arith.subi %min3A_138, %convert_element_type3A_124 : vector<16xi32>
        %mul3A_140 = arith.constant 4096 : i32
        %mul3A_141 = vector.broadcast %mul3A_140 : i32 to vector<16xi32>
        %mul3A_142 = arith.muli %convert_element_type3A_124, %mul3A_141 : vector<16xi32>
        %add3A_143 = arith.addi %mul3A_142, %convert_element_type3A : vector<16xi32>
        %mul3A_144 = arith.constant 4096 : i32
        %mul3A_145 = vector.broadcast %mul3A_144 : i32 to vector<16xi32>
        %mul3A_146 = arith.muli %sub3A_139, %mul3A_145 : vector<16xi32>
        %add3A_147 = arith.addi %add3A_143, %mul3A_146 : vector<16xi32>
        %swap3A = arith.index_cast %select_n3A : i32 to index
        %swap3A_148 = arith.index_cast %mul3A_82 : i32 to index
        %swap3A_149 = tpu.vector_load %arg11[%swap3A, %swap3A_148] {strides = array<i32>} : memref<32x128xi32, #tpu.memory_space<vmem>>, vector<16xi32>,
        tpu.vector_store %arg11[%swap3A, %swap3A_148], %add3A_143 {strides = array<i32>} : memref<32x128xi32, #tpu.memory_space<vmem>>, vector<16xi32>,
        %add3A_150 = arith.addi %add3A_143, %sub3A_132 : vector<16xi32>
        %add3A_151 = arith.constant 8 : i32
        %add3A_152 = arith.addi %add3A_151, %select_n3A : i32
        %swap3A_153 = arith.index_cast %add3A_152 : i32 to index
        %swap3A_154 = arith.index_cast %mul3A_82 : i32 to index
        %swap3A_155 = tpu.vector_load %arg11[%swap3A_153, %swap3A_154] {strides = array<i32>} : memref<32x128xi32, #tpu.memory_space<vmem>>, vector<16xi32>,
        tpu.vector_store %arg11[%swap3A_153, %swap3A_154], %add3A_150 {strides = array<i32>} : memref<32x128xi32, #tpu.memory_space<vmem>>, vector<16xi32>,
        %add3A_156 = arith.constant 16 : i32
        %add3A_157 = arith.addi %add3A_156, %select_n3A : i32
        %swap3A_158 = arith.index_cast %add3A_157 : i32 to index
        %swap3A_159 = arith.index_cast %mul3A_82 : i32 to index
        %swap3A_160 = tpu.vector_load %arg11[%swap3A_158, %swap3A_159] {strides = array<i32>} : memref<32x128xi32, #tpu.memory_space<vmem>>, vector<16xi32>,
        tpu.vector_store %arg11[%swap3A_158, %swap3A_159], %add3A_147 {strides = array<i32>} : memref<32x128xi32, #tpu.memory_space<vmem>>, vector<16xi32>,
        %add3A_161 = arith.addi %add3A_147, %sub3A_132 : vector<16xi32>
        %add3A_162 = arith.constant 24 : i32
        %add3A_163 = arith.addi %add3A_162, %select_n3A : i32
        %swap3A_164 = arith.index_cast %add3A_163 : i32 to index
        %swap3A_165 = arith.index_cast %mul3A_82 : i32 to index
        %swap3A_166 = tpu.vector_load %arg11[%swap3A_164, %swap3A_165] {strides = array<i32>} : memref<32x128xi32, #tpu.memory_space<vmem>>, vector<16xi32>,
        tpu.vector_store %arg11[%swap3A_164, %swap3A_165], %add3A_161 {strides = array<i32>} : memref<32x128xi32, #tpu.memory_space<vmem>>, vector<16xi32>,
        %add3A_167 = arith.constant 0 : i32
        %add3A_168 = arith.addi %add3A_167, %mul3A_50 : i32
        %swap3A_169 = arith.index_cast %add3A_168 : i32 to index
        %swap3A_170 = tpu.vector_load %arg15[%swap3A_169] {strides = array<i32>} : memref<2048xf32, #tpu.memory_space<vmem>>, vector<16xf32>,
        tpu.vector_store %arg15[%swap3A_169], %sub3A_111 {strides = array<i32>} : memref<2048xf32, #tpu.memory_space<vmem>>, vector<16xf32>,
        %convert_element_type3A_171 = arith.sitofp %sub3A_132 : vector<16xi32> to vector<16xf32>
        %mul3A_172 = arith.mulf %sub3A_111, %convert_element_type3A_171 : vector<16xf32>
        %add3A_173 = arith.constant 0 : i32
        %add3A_174 = arith.addi %add3A_173, %mul3A_50 : i32
        %swap3A_175 = arith.index_cast %add3A_174 : i32 to index
        %swap3A_176 = tpu.vector_load %arg16[%swap3A_175] {strides = array<i32>} : memref<2048xf32, #tpu.memory_space<vmem>>, vector<16xf32>,
        tpu.vector_store %arg16[%swap3A_175], %mul3A_172 {strides = array<i32>} : memref<2048xf32, #tpu.memory_space<vmem>>, vector<16xf32>,
        %add3A_177 = arith.constant 0 : i32
        %add3A_178 = arith.addi %add3A_177, %mul3A_50 : i32
        %swap3A_179 = arith.index_cast %add3A_178 : i32 to index
        %swap3A_180 = tpu.vector_load %arg17[%swap3A_179] {strides = array<i32>} : memref<2048xf32, #tpu.memory_space<vmem>>, vector<16xf32>,
        tpu.vector_store %arg17[%swap3A_179], %sub3A_126 {strides = array<i32>} : memref<2048xf32, #tpu.memory_space<vmem>>, vector<16xf32>,
        %convert_element_type3A_181 = arith.sitofp %sub3A_139 : vector<16xi32> to vector<16xf32>
        %mul3A_182 = arith.mulf %sub3A_126, %convert_element_type3A_181 : vector<16xf32>
        %add3A_183 = arith.constant 0 : i32
        %add3A_184 = arith.addi %add3A_183, %mul3A_50 : i32
        %swap3A_185 = arith.index_cast %add3A_184 : i32 to index
        %swap3A_186 = tpu.vector_load %arg18[%swap3A_185] {strides = array<i32>} : memref<2048xf32, #tpu.memory_space<vmem>>, vector<16xf32>,
        tpu.vector_store %arg18[%swap3A_185], %mul3A_182 {strides = array<i32>} : memref<2048xf32, #tpu.memory_space<vmem>>, vector<16xf32>,
        %add3A_187 = arith.constant 1.000000e+00 : f32
        %add3A_188 = vector.broadcast %add3A_187 : f32 to vector<16xf32>
        %add3A_189 = arith.addf %add3A_89, %add3A_188 : vector<16xf32>
        %mul3A_190 = arith.constant 2.048000e+03 : f32
        %mul3A_191 = vector.broadcast %mul3A_190 : f32 to vector<16xf32>
        %mul3A_192 = arith.mulf %add3A_189, %mul3A_191 : vector<16xf32>
        %sub3A_193 = arith.constant 1.000000e+00 : f32
        %sub3A_194 = vector.broadcast %sub3A_193 : f32 to vector<16xf32>
        %sub3A_195 = arith.subf %mul3A_192, %sub3A_194 : vector<16xf32>
        %mul3A_196 = arith.constant 5.000000e-01 : f32
        %mul3A_197 = vector.broadcast %mul3A_196 : f32 to vector<16xf32>
        %mul3A_198 = arith.mulf %sub3A_195, %mul3A_197 : vector<16xf32>
        %convert_element_type3A_199 = arith.fptosi %mul3A_198 : vector<16xf32> to vector<16xi32>
        %convert_element_type3A_200 = arith.sitofp %convert_element_type3A_199 : vector<16xi32> to vector<16xf32>
        %sub3A_201 = arith.subf %mul3A_198, %convert_element_type3A_200 : vector<16xf32>
        %add3A_202 = arith.constant 1.000000e+00 : f32
        %add3A_203 = vector.broadcast %add3A_202 : f32 to vector<16xf32>
        %add3A_204 = arith.addf %add3A_97, %add3A_203 : vector<16xf32>
        %mul3A_205 = arith.constant 2.048000e+03 : f32
        %mul3A_206 = vector.broadcast %mul3A_205 : f32 to vector<16xf32>
        %mul3A_207 = arith.mulf %add3A_204, %mul3A_206 : vector<16xf32>
        %sub3A_208 = arith.constant 1.000000e+00 : f32
        %sub3A_209 = vector.broadcast %sub3A_208 : f32 to vector<16xf32>
        %sub3A_210 = arith.subf %mul3A_207, %sub3A_209 : vector<16xf32>
        %mul3A_211 = arith.constant 5.000000e-01 : f32
        %mul3A_212 = vector.broadcast %mul3A_211 : f32 to vector<16xf32>
        %mul3A_213 = arith.mulf %sub3A_210, %mul3A_212 : vector<16xf32>
        %convert_element_type3A_214 = arith.fptosi %mul3A_213 : vector<16xf32> to vector<16xi32>
        %convert_element_type3A_215 = arith.sitofp %convert_element_type3A_214 : vector<16xi32> to vector<16xf32>
        %sub3A_216 = arith.subf %mul3A_213, %convert_element_type3A_215 : vector<16xf32>
        %add3A_217 = arith.constant 1 : i32
        %add3A_218 = vector.broadcast %add3A_217 : i32 to vector<16xi32>
        %add3A_219 = arith.addi %convert_element_type3A_199, %add3A_218 : vector<16xi32>
        %min3A_220 = arith.constant 2047 : i32
        %min3A_221 = vector.broadcast %min3A_220 : i32 to vector<16xi32>
        %min3A_222 = arith.minsi %add3A_219, %min3A_221 : vector<16xi32>
        %sub3A_223 = arith.subi %min3A_222, %convert_element_type3A_199 : vector<16xi32>
        %add3A_224 = arith.constant 1 : i32
        %add3A_225 = vector.broadcast %add3A_224 : i32 to vector<16xi32>
        %add3A_226 = arith.addi %convert_element_type3A_214, %add3A_225 : vector<16xi32>
        %min3A_227 = arith.constant 2047 : i32
        %min3A_228 = vector.broadcast %min3A_227 : i32 to vector<16xi32>
        %min3A_229 = arith.minsi %add3A_226, %min3A_228 : vector<16xi32>
        %sub3A_230 = arith.subi %min3A_229, %convert_element_type3A_214 : vector<16xi32>
        %mul3A_231 = arith.constant 2048 : i32
        %mul3A_232 = vector.broadcast %mul3A_231 : i32 to vector<16xi32>
        %mul3A_233 = arith.muli %convert_element_type3A_214, %mul3A_232 : vector<16xi32>
        %add3A_234 = arith.addi %mul3A_233, %convert_element_type3A_199 : vector<16xi32>
        %mul3A_235 = arith.constant 2048 : i32
        %mul3A_236 = vector.broadcast %mul3A_235 : i32 to vector<16xi32>
        %mul3A_237 = arith.muli %sub3A_230, %mul3A_236 : vector<16xi32>
        %add3A_238 = arith.addi %add3A_234, %mul3A_237 : vector<16xi32>
        %swap3A_239 = arith.index_cast %select_n3A : i32 to index
        %swap3A_240 = arith.index_cast %mul3A_82 : i32 to index
        %swap3A_241 = tpu.vector_load %arg12[%swap3A_239, %swap3A_240] {strides = array<i32>} : memref<32x128xi32, #tpu.memory_space<vmem>>, vector<16xi32>,
        tpu.vector_store %arg12[%swap3A_239, %swap3A_240], %add3A_234 {strides = array<i32>} : memref<32x128xi32, #tpu.memory_space<vmem>>, vector<16xi32>,
        %add3A_242 = arith.addi %add3A_234, %sub3A_223 : vector<16xi32>
        %add3A_243 = arith.constant 8 : i32
        %add3A_244 = arith.addi %add3A_243, %select_n3A : i32
        %swap3A_245 = arith.index_cast %add3A_244 : i32 to index
        %swap3A_246 = arith.index_cast %mul3A_82 : i32 to index
        %swap3A_247 = tpu.vector_load %arg12[%swap3A_245, %swap3A_246] {strides = array<i32>} : memref<32x128xi32, #tpu.memory_space<vmem>>, vector<16xi32>,
        tpu.vector_store %arg12[%swap3A_245, %swap3A_246], %add3A_242 {strides = array<i32>} : memref<32x128xi32, #tpu.memory_space<vmem>>, vector<16xi32>,
        %add3A_248 = arith.constant 16 : i32
        %add3A_249 = arith.addi %add3A_248, %select_n3A : i32
        %swap3A_250 = arith.index_cast %add3A_249 : i32 to index
        %swap3A_251 = arith.index_cast %mul3A_82 : i32 to index
        %swap3A_252 = tpu.vector_load %arg12[%swap3A_250, %swap3A_251] {strides = array<i32>} : memref<32x128xi32, #tpu.memory_space<vmem>>, vector<16xi32>,
        tpu.vector_store %arg12[%swap3A_250, %swap3A_251], %add3A_238 {strides = array<i32>} : memref<32x128xi32, #tpu.memory_space<vmem>>, vector<16xi32>,
        %add3A_253 = arith.addi %add3A_238, %sub3A_223 : vector<16xi32>
        %add3A_254 = arith.constant 24 : i32
        %add3A_255 = arith.addi %add3A_254, %select_n3A : i32
        %swap3A_256 = arith.index_cast %add3A_255 : i32 to index
        %swap3A_257 = arith.index_cast %mul3A_82 : i32 to index
        %swap3A_258 = tpu.vector_load %arg12[%swap3A_256, %swap3A_257] {strides = array<i32>} : memref<32x128xi32, #tpu.memory_space<vmem>>, vector<16xi32>,
        tpu.vector_store %arg12[%swap3A_256, %swap3A_257], %add3A_253 {strides = array<i32>} : memref<32x128xi32, #tpu.memory_space<vmem>>, vector<16xi32>,
        %add3A_259 = arith.constant 1024 : i32
        %add3A_260 = arith.addi %add3A_259, %mul3A_50 : i32
        %swap3A_261 = arith.index_cast %add3A_260 : i32 to index
        %swap3A_262 = tpu.vector_load %arg15[%swap3A_261] {strides = array<i32>} : memref<2048xf32, #tpu.memory_space<vmem>>, vector<16xf32>,
        tpu.vector_store %arg15[%swap3A_261], %sub3A_201 {strides = array<i32>} : memref<2048xf32, #tpu.memory_space<vmem>>, vector<16xf32>,
        %convert_element_type3A_263 = arith.sitofp %sub3A_223 : vector<16xi32> to vector<16xf32>
        %mul3A_264 = arith.mulf %sub3A_201, %convert_element_type3A_263 : vector<16xf32>
        %add3A_265 = arith.constant 1024 : i32
        %add3A_266 = arith.addi %add3A_265, %mul3A_50 : i32
        %swap3A_267 = arith.index_cast %add3A_266 : i32 to index
        %swap3A_268 = tpu.vector_load %arg16[%swap3A_267] {strides = array<i32>} : memref<2048xf32, #tpu.memory_space<vmem>>, vector<16xf32>,
        tpu.vector_store %arg16[%swap3A_267], %mul3A_264 {strides = array<i32>} : memref<2048xf32, #tpu.memory_space<vmem>>, vector<16xf32>,
        %add3A_269 = arith.constant 1024 : i32
        %add3A_270 = arith.addi %add3A_269, %mul3A_50 : i32
        %swap3A_271 = arith.index_cast %add3A_270 : i32 to index
        %swap3A_272 = tpu.vector_load %arg17[%swap3A_271] {strides = array<i32>} : memref<2048xf32, #tpu.memory_space<vmem>>, vector<16xf32>,
        tpu.vector_store %arg17[%swap3A_271], %sub3A_216 {strides = array<i32>} : memref<2048xf32, #tpu.memory_space<vmem>>, vector<16xf32>,
        %convert_element_type3A_273 = arith.sitofp %sub3A_230 : vector<16xi32> to vector<16xf32>
        %mul3A_274 = arith.mulf %sub3A_216, %convert_element_type3A_273 : vector<16xf32>
        %add3A_275 = arith.constant 1024 : i32
        %add3A_276 = arith.addi %add3A_275, %mul3A_50 : i32
        %swap3A_277 = arith.index_cast %add3A_276 : i32 to index
        %swap3A_278 = tpu.vector_load %arg18[%swap3A_277] {strides = array<i32>} : memref<2048xf32, #tpu.memory_space<vmem>>, vector<16xf32>,
        tpu.vector_store %arg18[%swap3A_277], %mul3A_274 {strides = array<i32>} : memref<2048xf32, #tpu.memory_space<vmem>>, vector<16xf32>,
      }
      %scan3A_17 = arith.constant 64 : i32
      %scan3A_18 = arith.constant 0 : i32
      %scan3A_19 = arith.constant 0 : i32
      %scan3A_20 = arith.constant 32 : i32
      %scan3A_21 = arith.addi %scan3A_19, %scan3A_20 : i32
      %scan3A_22 = arith.constant 1 : i32
      scf.for %scan3A_48 = %scan3A_19 to %scan3A_21 step %scan3A_22  : i32 {
        %mul3A_49 = arith.constant 128 : i32
        %mul3A_50 = arith.muli %scan3A_48, %mul3A_49 : i32
        %dma_start3A = tpu.memref_slice %arg13[%mul3A_50] : memref<4096xf32, #tpu.memory_space<vmem>> -> memref<128xf32, #tpu.memory_space<vmem>>
        %dma_start3A_51 = arith.constant 0 : i32
        %dma_start3A_52 = tpu.memref_slice %arg11[%scan3A_48, %dma_start3A_51] : memref<32x128xi32, #tpu.memory_space<vmem>> -> memref<1x128xi32, #tpu.memory_space<vmem>>
        %dma_start3A_53 = tpu.memref_squeeze %dma_start3A_52 : memref<1x128xi32, #tpu.memory_space<vmem>> -> memref<128xi32, #tpu.memory_space<vmem>>
        %dma_start3A_54 = arith.constant 0 : i32
        %dma_start3A_55 = tpu.memref_slice %arg4[%dma_start3A_54] : memref<16777216xf32, #tpu.memory_space<hbm>> -> memref<16777216xf32, #tpu.memory_space<hbm>>
        tpu.enqueue_indirect_dma source(%dma_start3A_55 : memref<16777216xf32, #tpu.memory_space<hbm>>) target(%dma_start3A : memref<128xf32, #tpu.memory_space<vmem>>) offsets(%dma_start3A_53 : memref<128xi32, #tpu.memory_space<vmem>>) semaphore(%arg22 : memref<!tpu.dma_semaphore, #tpu.memory_space<semaphore_mem>>)
      }
      %scan3A_23 = arith.constant 32 : i32
      %scan3A_24 = arith.constant 0 : i32
      %scan3A_25 = arith.constant 0 : i32
      %scan3A_26 = arith.constant 32 : i32
      %scan3A_27 = arith.addi %scan3A_25, %scan3A_26 : i32
      %scan3A_28 = arith.constant 1 : i32
      scf.for %scan3A_48 = %scan3A_25 to %scan3A_27 step %scan3A_28  : i32 {
        %mul3A_49 = arith.constant 128 : i32
        %mul3A_50 = arith.muli %scan3A_48, %mul3A_49 : i32
        %dma_start3A = tpu.memref_slice %arg14[%mul3A_50] : memref<4096xf32, #tpu.memory_space<vmem>> -> memref<128xf32, #tpu.memory_space<vmem>>
        %dma_start3A_51 = arith.constant 0 : i32
        %dma_start3A_52 = tpu.memref_slice %arg12[%scan3A_48, %dma_start3A_51] : memref<32x128xi32, #tpu.memory_space<vmem>> -> memref<1x128xi32, #tpu.memory_space<vmem>>
        %dma_start3A_53 = tpu.memref_squeeze %dma_start3A_52 : memref<1x128xi32, #tpu.memory_space<vmem>> -> memref<128xi32, #tpu.memory_space<vmem>>
        %dma_start3A_54 = arith.constant 0 : i32
        %dma_start3A_55 = tpu.memref_slice %arg5[%dma_start3A_54] : memref<4194304xf32, #tpu.memory_space<hbm>> -> memref<4194304xf32, #tpu.memory_space<hbm>>
        tpu.enqueue_indirect_dma source(%dma_start3A_55 : memref<4194304xf32, #tpu.memory_space<hbm>>) target(%dma_start3A : memref<128xf32, #tpu.memory_space<vmem>>) offsets(%dma_start3A_53 : memref<128xi32, #tpu.memory_space<vmem>>) semaphore(%arg22 : memref<!tpu.dma_semaphore, #tpu.memory_space<semaphore_mem>>)
      }
      %scan3A_29 = arith.constant 32 : i32
      %scan3A_30 = arith.constant 0 : i32
      %scan3A_31 = arith.constant 0 : i32
      %scan3A_32 = arith.constant 64 : i32
      %scan3A_33 = arith.addi %scan3A_31, %scan3A_32 : i32
      %scan3A_34 = arith.constant 1 : i32
      scf.for %scan3A_48 = %scan3A_31 to %scan3A_33 step %scan3A_34  : i32 {
        %mul3A_49 = arith.constant 16 : i32
        %mul3A_50 = arith.muli %scan3A_48, %mul3A_49 : i32
        %get3A = arith.index_cast %mul3A_50 : i32 to index
        %get3A_51 = tpu.vector_load %arg9[%get3A] {strides = array<i32>} : memref<1024xf32, #tpu.memory_space<vmem>>, vector<16xf32>,
        %mul3A_52 = arith.constant 5.000000e-01 : f32
        %mul3A_53 = vector.broadcast %mul3A_52 : f32 to vector<16xf32>
        %mul3A_54 = arith.mulf %get3A_51, %mul3A_53 : vector<16xf32>
        %add3A_55 = arith.constant 5.000000e-01 : f32
        %add3A_56 = vector.broadcast %add3A_55 : f32 to vector<16xf32>
        %add3A_57 = arith.addf %mul3A_54, %add3A_56 : vector<16xf32>
        %get3A_58 = arith.index_cast %mul3A_50 : i32 to index
        %get3A_59 = tpu.vector_load %arg10[%get3A_58] {strides = array<i32>} : memref<1024xf32, #tpu.memory_space<vmem>>, vector<16xf32>,
        %mul3A_60 = arith.constant 5.000000e-01 : f32
        %mul3A_61 = vector.broadcast %mul3A_60 : f32 to vector<16xf32>
        %mul3A_62 = arith.mulf %get3A_59, %mul3A_61 : vector<16xf32>
        %add3A_63 = arith.constant 5.000000e-01 : f32
        %add3A_64 = vector.broadcast %add3A_63 : f32 to vector<16xf32>
        %add3A_65 = arith.addf %mul3A_62, %add3A_64 : vector<16xf32>
        %broadcast_in_dim3A = arith.constant 0.000000e+00 : f32
        %broadcast_in_dim3A_66 = vector.broadcast %broadcast_in_dim3A : f32 to vector<16xf32>
        %add3A_67 = arith.constant 1.000000e+00 : f32
        %add3A_68 = vector.broadcast %add3A_67 : f32 to vector<16xf32>
        %add3A_69 = arith.addf %add3A_57, %add3A_68 : vector<16xf32>
        %mul3A_70 = arith.constant 1.024000e+03 : f32
        %mul3A_71 = vector.broadcast %mul3A_70 : f32 to vector<16xf32>
        %mul3A_72 = arith.mulf %add3A_69, %mul3A_71 : vector<16xf32>
        %sub3A = arith.constant 1.000000e+00 : f32
        %sub3A_73 = vector.broadcast %sub3A : f32 to vector<16xf32>
        %sub3A_74 = arith.subf %mul3A_72, %sub3A_73 : vector<16xf32>
        %mul3A_75 = arith.constant 5.000000e-01 : f32
        %mul3A_76 = vector.broadcast %mul3A_75 : f32 to vector<16xf32>
        %mul3A_77 = arith.mulf %sub3A_74, %mul3A_76 : vector<16xf32>
        %convert_element_type3A = arith.fptosi %mul3A_77 : vector<16xf32> to vector<16xi32>
        %convert_element_type3A_78 = arith.sitofp %convert_element_type3A : vector<16xi32> to vector<16xf32>
        %sub3A_79 = arith.subf %mul3A_77, %convert_element_type3A_78 : vector<16xf32>
        %add3A_80 = arith.constant 1.000000e+00 : f32
        %add3A_81 = vector.broadcast %add3A_80 : f32 to vector<16xf32>
        %add3A_82 = arith.addf %add3A_65, %add3A_81 : vector<16xf32>
        %mul3A_83 = arith.constant 1.024000e+03 : f32
        %mul3A_84 = vector.broadcast %mul3A_83 : f32 to vector<16xf32>
        %mul3A_85 = arith.mulf %add3A_82, %mul3A_84 : vector<16xf32>
        %sub3A_86 = arith.constant 1.000000e+00 : f32
        %sub3A_87 = vector.broadcast %sub3A_86 : f32 to vector<16xf32>
        %sub3A_88 = arith.subf %mul3A_85, %sub3A_87 : vector<16xf32>
        %mul3A_89 = arith.constant 5.000000e-01 : f32
        %mul3A_90 = vector.broadcast %mul3A_89 : f32 to vector<16xf32>
        %mul3A_91 = arith.mulf %sub3A_88, %mul3A_90 : vector<16xf32>
        %convert_element_type3A_92 = arith.fptosi %mul3A_91 : vector<16xf32> to vector<16xi32>
        %convert_element_type3A_93 = arith.sitofp %convert_element_type3A_92 : vector<16xi32> to vector<16xf32>
        %sub3A_94 = arith.subf %mul3A_91, %convert_element_type3A_93 : vector<16xf32>
        %mul3A_95 = arith.constant 258 : i32
        %mul3A_96 = vector.broadcast %mul3A_95 : i32 to vector<16xi32>
        %mul3A_97 = arith.muli %convert_element_type3A_92, %mul3A_96 : vector<16xi32>
        %add3A_98 = arith.addi %mul3A_97, %convert_element_type3A : vector<16xi32>
        %sub3A_99 = arith.constant 198653 : i32
        %sub3A_100 = vector.broadcast %sub3A_99 : i32 to vector<16xi32>
        %sub3A_101 = arith.subi %add3A_98, %sub3A_100 : vector<16xi32>
        %gather3A = tpu.vector_load_idx %arg19[%sub3A_101] : memref<66564xf32, #tpu.memory_space<vmem>>[vector<16xi32>], vector<16xf32>,
        %add3A_102 = arith.constant 1 : i32
        %add3A_103 = vector.broadcast %add3A_102 : i32 to vector<16xi32>
        %add3A_104 = arith.addi %sub3A_101, %add3A_103 : vector<16xi32>
        %gather3A_105 = tpu.vector_load_idx %arg19[%add3A_104] : memref<66564xf32, #tpu.memory_space<vmem>>[vector<16xi32>], vector<16xf32>,
        %add3A_106 = arith.constant 258 : i32
        %add3A_107 = vector.broadcast %add3A_106 : i32 to vector<16xi32>
        %add3A_108 = arith.addi %sub3A_101, %add3A_107 : vector<16xi32>
        %gather3A_109 = tpu.vector_load_idx %arg19[%add3A_108] : memref<66564xf32, #tpu.memory_space<vmem>>[vector<16xi32>], vector<16xf32>,
        %add3A_110 = arith.constant 259 : i32
        %add3A_111 = vector.broadcast %add3A_110 : i32 to vector<16xi32>
        %add3A_112 = arith.addi %sub3A_101, %add3A_111 : vector<16xi32>
        %gather3A_113 = tpu.vector_load_idx %arg19[%add3A_112] : memref<66564xf32, #tpu.memory_space<vmem>>[vector<16xi32>], vector<16xf32>,
        %sub3A_114 = arith.constant 1.000000e+00 : f32
        %sub3A_115 = vector.broadcast %sub3A_114 : f32 to vector<16xf32>
        %sub3A_116 = arith.subf %sub3A_115, %sub3A_79 : vector<16xf32>
        %mul3A_117 = arith.mulf %gather3A, %sub3A_116 : vector<16xf32>
        %mul3A_118 = arith.mulf %gather3A_105, %sub3A_79 : vector<16xf32>
        %add3A_119 = arith.addf %mul3A_117, %mul3A_118 : vector<16xf32>
        %sub3A_120 = arith.constant 1.000000e+00 : f32
        %sub3A_121 = vector.broadcast %sub3A_120 : f32 to vector<16xf32>
        %sub3A_122 = arith.subf %sub3A_121, %sub3A_94 : vector<16xf32>
        %mul3A_123 = arith.mulf %add3A_119, %sub3A_122 : vector<16xf32>
        %mul3A_124 = arith.mulf %gather3A_109, %sub3A_116 : vector<16xf32>
        %mul3A_125 = arith.mulf %gather3A_113, %sub3A_79 : vector<16xf32>
        %add3A_126 = arith.addf %mul3A_124, %mul3A_125 : vector<16xf32>
        %mul3A_127 = arith.mulf %add3A_126, %sub3A_94 : vector<16xf32>
        %add3A_128 = arith.addf %mul3A_123, %mul3A_127 : vector<16xf32>
        %add3A_129 = arith.addf %broadcast_in_dim3A_66, %add3A_128 : vector<16xf32>
        %add3A_130 = arith.constant 1.000000e+00 : f32
        %add3A_131 = vector.broadcast %add3A_130 : f32 to vector<16xf32>
        %add3A_132 = arith.addf %add3A_57, %add3A_131 : vector<16xf32>
        %mul3A_133 = arith.constant 5.120000e+02 : f32
        %mul3A_134 = vector.broadcast %mul3A_133 : f32 to vector<16xf32>
        %mul3A_135 = arith.mulf %add3A_132, %mul3A_134 : vector<16xf32>
        %sub3A_136 = arith.constant 1.000000e+00 : f32
        %sub3A_137 = vector.broadcast %sub3A_136 : f32 to vector<16xf32>
        %sub3A_138 = arith.subf %mul3A_135, %sub3A_137 : vector<16xf32>
        %mul3A_139 = arith.constant 5.000000e-01 : f32
        %mul3A_140 = vector.broadcast %mul3A_139 : f32 to vector<16xf32>
        %mul3A_141 = arith.mulf %sub3A_138, %mul3A_140 : vector<16xf32>
        %convert_element_type3A_142 = arith.fptosi %mul3A_141 : vector<16xf32> to vector<16xi32>
        %convert_element_type3A_143 = arith.sitofp %convert_element_type3A_142 : vector<16xi32> to vector<16xf32>
        %sub3A_144 = arith.subf %mul3A_141, %convert_element_type3A_143 : vector<16xf32>
        %add3A_145 = arith.constant 1.000000e+00 : f32
        %add3A_146 = vector.broadcast %add3A_145 : f32 to vector<16xf32>
        %add3A_147 = arith.addf %add3A_65, %add3A_146 : vector<16xf32>
        %mul3A_148 = arith.constant 5.120000e+02 : f32
        %mul3A_149 = vector.broadcast %mul3A_148 : f32 to vector<16xf32>
        %mul3A_150 = arith.mulf %add3A_147, %mul3A_149 : vector<16xf32>
        %sub3A_151 = arith.constant 1.000000e+00 : f32
        %sub3A_152 = vector.broadcast %sub3A_151 : f32 to vector<16xf32>
        %sub3A_153 = arith.subf %mul3A_150, %sub3A_152 : vector<16xf32>
        %mul3A_154 = arith.constant 5.000000e-01 : f32
        %mul3A_155 = vector.broadcast %mul3A_154 : f32 to vector<16xf32>
        %mul3A_156 = arith.mulf %sub3A_153, %mul3A_155 : vector<16xf32>
        %convert_element_type3A_157 = arith.fptosi %mul3A_156 : vector<16xf32> to vector<16xi32>
        %convert_element_type3A_158 = arith.sitofp %convert_element_type3A_157 : vector<16xi32> to vector<16xf32>
        %sub3A_159 = arith.subf %mul3A_156, %convert_element_type3A_158 : vector<16xf32>
        %mul3A_160 = arith.constant 130 : i32
        %mul3A_161 = vector.broadcast %mul3A_160 : i32 to vector<16xi32>
        %mul3A_162 = arith.muli %convert_element_type3A_157, %mul3A_161 : vector<16xi32>
        %add3A_163 = arith.addi %mul3A_162, %convert_element_type3A_142 : vector<16xi32>
        %sub3A_164 = arith.constant 50173 : i32
        %sub3A_165 = vector.broadcast %sub3A_164 : i32 to vector<16xi32>
        %sub3A_166 = arith.subi %add3A_163, %sub3A_165 : vector<16xi32>
        %gather3A_167 = tpu.vector_load_idx %arg20[%sub3A_166] : memref<16900xf32, #tpu.memory_space<vmem>>[vector<16xi32>], vector<16xf32>,
        %add3A_168 = arith.constant 1 : i32
        %add3A_169 = vector.broadcast %add3A_168 : i32 to vector<16xi32>
        %add3A_170 = arith.addi %sub3A_166, %add3A_169 : vector<16xi32>
        %gather3A_171 = tpu.vector_load_idx %arg20[%add3A_170] : memref<16900xf32, #tpu.memory_space<vmem>>[vector<16xi32>], vector<16xf32>,
        %add3A_172 = arith.constant 130 : i32
        %add3A_173 = vector.broadcast %add3A_172 : i32 to vector<16xi32>
        %add3A_174 = arith.addi %sub3A_166, %add3A_173 : vector<16xi32>
        %gather3A_175 = tpu.vector_load_idx %arg20[%add3A_174] : memref<16900xf32, #tpu.memory_space<vmem>>[vector<16xi32>], vector<16xf32>,
        %add3A_176 = arith.constant 131 : i32
        %add3A_177 = vector.broadcast %add3A_176 : i32 to vector<16xi32>
        %add3A_178 = arith.addi %sub3A_166, %add3A_177 : vector<16xi32>
        %gather3A_179 = tpu.vector_load_idx %arg20[%add3A_178] : memref<16900xf32, #tpu.memory_space<vmem>>[vector<16xi32>], vector<16xf32>,
        %sub3A_180 = arith.constant 1.000000e+00 : f32
        %sub3A_181 = vector.broadcast %sub3A_180 : f32 to vector<16xf32>
        %sub3A_182 = arith.subf %sub3A_181, %sub3A_144 : vector<16xf32>
        %mul3A_183 = arith.mulf %gather3A_167, %sub3A_182 : vector<16xf32>
        %mul3A_184 = arith.mulf %gather3A_171, %sub3A_144 : vector<16xf32>
        %add3A_185 = arith.addf %mul3A_183, %mul3A_184 : vector<16xf32>
        %sub3A_186 = arith.constant 1.000000e+00 : f32
        %sub3A_187 = vector.broadcast %sub3A_186 : f32 to vector<16xf32>
        %sub3A_188 = arith.subf %sub3A_187, %sub3A_159 : vector<16xf32>
        %mul3A_189 = arith.mulf %add3A_185, %sub3A_188 : vector<16xf32>
        %mul3A_190 = arith.mulf %gather3A_175, %sub3A_182 : vector<16xf32>
        %mul3A_191 = arith.mulf %gather3A_179, %sub3A_144 : vector<16xf32>
        %add3A_192 = arith.addf %mul3A_190, %mul3A_191 : vector<16xf32>
        %mul3A_193 = arith.mulf %add3A_192, %sub3A_159 : vector<16xf32>
        %add3A_194 = arith.addf %mul3A_189, %mul3A_193 : vector<16xf32>
        %add3A_195 = arith.addf %add3A_129, %add3A_194 : vector<16xf32>
        %swap3A = arith.index_cast %mul3A_50 : i32 to index
        %swap3A_196 = tpu.vector_load %arg21[%swap3A] {strides = array<i32>} : memref<1024xf32, #tpu.memory_space<vmem>>, vector<16xf32>,
        tpu.vector_store %arg21[%swap3A], %add3A_195 {strides = array<i32>} : memref<1024xf32, #tpu.memory_space<vmem>>, vector<16xf32>,
      }
      %scan3A_35 = arith.constant 64 : i32
      %scan3A_36 = arith.constant 0 : i32
      %scan3A_37 = arith.constant 0 : i32
      %scan3A_38 = arith.constant 64 : i32
      %scan3A_39 = arith.addi %scan3A_37, %scan3A_38 : i32
      %scan3A_40 = arith.constant 1 : i32
      scf.for %scan3A_48 = %scan3A_37 to %scan3A_39 step %scan3A_40  : i32 {
        %dma_wait3A = arith.constant 0 : i32
        %dma_wait3A_49 = arith.constant 0 : i32
        %dma_wait3A_50 = tpu.memref_slice %arg13[%dma_wait3A_49] : memref<4096xf32, #tpu.memory_space<vmem>> -> memref<128xf32, #tpu.memory_space<vmem>>
        %dma_wait3A_51 = arith.constant 0 : i32
        %dma_wait3A_52 = tpu.memref_slice %arg11[%dma_wait3A, %dma_wait3A_51] : memref<32x128xi32, #tpu.memory_space<vmem>> -> memref<1x128xi32, #tpu.memory_space<vmem>>
        %dma_wait3A_53 = tpu.memref_squeeze %dma_wait3A_52 : memref<1x128xi32, #tpu.memory_space<vmem>> -> memref<128xi32, #tpu.memory_space<vmem>>
        %dma_wait3A_54 = arith.constant 0 : i32
        %dma_wait3A_55 = tpu.memref_slice %arg4[%dma_wait3A_54] : memref<16777216xf32, #tpu.memory_space<hbm>> -> memref<16777216xf32, #tpu.memory_space<hbm>>
        tpu.wait_indirect_dma semaphore(%arg22 : memref<!tpu.dma_semaphore, #tpu.memory_space<semaphore_mem>>) src(%dma_wait3A_55 : memref<16777216xf32, #tpu.memory_space<hbm>>) dst(%dma_wait3A_50 : memref<128xf32, #tpu.memory_space<vmem>>)
      }
      %scan3A_41 = arith.constant 64 : i32
      %scan3A_42 = arith.constant 0 : i32
      %scan3A_43 = arith.constant 0 : i32
      %scan3A_44 = arith.constant 64 : i32
      %scan3A_45 = arith.addi %scan3A_43, %scan3A_44 : i32
      %scan3A_46 = arith.constant 1 : i32
      scf.for %scan3A_48 = %scan3A_43 to %scan3A_45 step %scan3A_46  : i32 {
        %mul3A_49 = arith.constant 16 : i32
        %mul3A_50 = arith.muli %scan3A_48, %mul3A_49 : i32
        %get3A = arith.index_cast %mul3A_50 : i32 to index
        %get3A_51 = tpu.vector_load %arg21[%get3A] {strides = array<i32>} : memref<1024xf32, #tpu.memory_space<vmem>>, vector<16xf32>,
        %add3A_52 = arith.constant 0 : i32
        %add3A_53 = arith.addi %add3A_52, %mul3A_50 : i32
        %get3A_54 = arith.index_cast %add3A_53 : i32 to index
        %get3A_55 = tpu.vector_load %arg15[%get3A_54] {strides = array<i32>} : memref<2048xf32, #tpu.memory_space<vmem>>, vector<16xf32>,
        %add3A_56 = arith.constant 0 : i32
        %add3A_57 = arith.addi %add3A_56, %mul3A_50 : i32
        %get3A_58 = arith.index_cast %add3A_57 : i32 to index
        %get3A_59 = tpu.vector_load %arg16[%get3A_58] {strides = array<i32>} : memref<2048xf32, #tpu.memory_space<vmem>>, vector<16xf32>,
        %add3A_60 = arith.constant 0 : i32
        %add3A_61 = arith.addi %add3A_60, %mul3A_50 : i32
        %get3A_62 = arith.index_cast %add3A_61 : i32 to index
        %get3A_63 = tpu.vector_load %arg17[%get3A_62] {strides = array<i32>} : memref<2048xf32, #tpu.memory_space<vmem>>, vector<16xf32>,
        %add3A_64 = arith.constant 0 : i32
        %add3A_65 = arith.addi %add3A_64, %mul3A_50 : i32
        %get3A_66 = arith.index_cast %add3A_65 : i32 to index
        %get3A_67 = tpu.vector_load %arg18[%get3A_66] {strides = array<i32>} : memref<2048xf32, #tpu.memory_space<vmem>>, vector<16xf32>,
        %get3A_68 = arith.index_cast %mul3A_50 : i32 to index
        %get3A_69 = tpu.vector_load %arg13[%get3A_68] {strides = array<i32>} : memref<4096xf32, #tpu.memory_space<vmem>>, vector<16xf32>,
        %add3A_70 = arith.constant 1024 : i32
        %add3A_71 = arith.addi %add3A_70, %mul3A_50 : i32
        %get3A_72 = arith.index_cast %add3A_71 : i32 to index
        %get3A_73 = tpu.vector_load %arg13[%get3A_72] {strides = array<i32>} : memref<4096xf32, #tpu.memory_space<vmem>>, vector<16xf32>,
        %add3A_74 = arith.constant 2048 : i32
        %add3A_75 = arith.addi %add3A_74, %mul3A_50 : i32
        %get3A_76 = arith.index_cast %add3A_75 : i32 to index
        %get3A_77 = tpu.vector_load %arg13[%get3A_76] {strides = array<i32>} : memref<4096xf32, #tpu.memory_space<vmem>>, vector<16xf32>,
        %add3A_78 = arith.constant 3072 : i32
        %add3A_79 = arith.addi %add3A_78, %mul3A_50 : i32
        %get3A_80 = arith.index_cast %add3A_79 : i32 to index
        %get3A_81 = tpu.vector_load %arg13[%get3A_80] {strides = array<i32>} : memref<4096xf32, #tpu.memory_space<vmem>>, vector<16xf32>,
        %sub3A = arith.constant 1.000000e+00 : f32
        %sub3A_82 = vector.broadcast %sub3A : f32 to vector<16xf32>
        %sub3A_83 = arith.subf %sub3A_82, %get3A_55 : vector<16xf32>
        %mul3A_84 = arith.mulf %get3A_69, %sub3A_83 : vector<16xf32>
        %mul3A_85 = arith.mulf %get3A_73, %get3A_59 : vector<16xf32>
        %add3A_86 = arith.addf %mul3A_84, %mul3A_85 : vector<16xf32>
        %sub3A_87 = arith.constant 1.000000e+00 : f32
        %sub3A_88 = vector.broadcast %sub3A_87 : f32 to vector<16xf32>
        %sub3A_89 = arith.subf %sub3A_88, %get3A_63 : vector<16xf32>
        %mul3A_90 = arith.mulf %add3A_86, %sub3A_89 : vector<16xf32>
        %mul3A_91 = arith.mulf %get3A_77, %sub3A_83 : vector<16xf32>
        %mul3A_92 = arith.mulf %get3A_81, %get3A_59 : vector<16xf32>
        %add3A_93 = arith.addf %mul3A_91, %mul3A_92 : vector<16xf32>
        %mul3A_94 = arith.mulf %add3A_93, %get3A_67 : vector<16xf32>
        %add3A_95 = arith.addf %mul3A_90, %mul3A_94 : vector<16xf32>
        %add3A_96 = arith.addf %get3A_51, %add3A_95 : vector<16xf32>
        %add3A_97 = arith.constant 1024 : i32
        %add3A_98 = arith.addi %add3A_97, %mul3A_50 : i32
        %get3A_99 = arith.index_cast %add3A_98 : i32 to index
        %get3A_100 = tpu.vector_load %arg15[%get3A_99] {strides = array<i32>} : memref<2048xf32, #tpu.memory_space<vmem>>, vector<16xf32>,
        %add3A_101 = arith.constant 1024 : i32
        %add3A_102 = arith.addi %add3A_101, %mul3A_50 : i32
        %get3A_103 = arith.index_cast %add3A_102 : i32 to index
        %get3A_104 = tpu.vector_load %arg16[%get3A_103] {strides = array<i32>} : memref<2048xf32, #tpu.memory_space<vmem>>, vector<16xf32>,
        %add3A_105 = arith.constant 1024 : i32
        %add3A_106 = arith.addi %add3A_105, %mul3A_50 : i32
        %get3A_107 = arith.index_cast %add3A_106 : i32 to index
        %get3A_108 = tpu.vector_load %arg17[%get3A_107] {strides = array<i32>} : memref<2048xf32, #tpu.memory_space<vmem>>, vector<16xf32>,
        %add3A_109 = arith.constant 1024 : i32
        %add3A_110 = arith.addi %add3A_109, %mul3A_50 : i32
        %get3A_111 = arith.index_cast %add3A_110 : i32 to index
        %get3A_112 = tpu.vector_load %arg18[%get3A_111] {strides = array<i32>} : memref<2048xf32, #tpu.memory_space<vmem>>, vector<16xf32>,
        %get3A_113 = arith.index_cast %mul3A_50 : i32 to index
        %get3A_114 = tpu.vector_load %arg14[%get3A_113] {strides = array<i32>} : memref<4096xf32, #tpu.memory_space<vmem>>, vector<16xf32>,
        %add3A_115 = arith.constant 1024 : i32
        %add3A_116 = arith.addi %add3A_115, %mul3A_50 : i32
        %get3A_117 = arith.index_cast %add3A_116 : i32 to index
        %get3A_118 = tpu.vector_load %arg14[%get3A_117] {strides = array<i32>} : memref<4096xf32, #tpu.memory_space<vmem>>, vector<16xf32>,
        %add3A_119 = arith.constant 2048 : i32
        %add3A_120 = arith.addi %add3A_119, %mul3A_50 : i32
        %get3A_121 = arith.index_cast %add3A_120 : i32 to index
        %get3A_122 = tpu.vector_load %arg14[%get3A_121] {strides = array<i32>} : memref<4096xf32, #tpu.memory_space<vmem>>, vector<16xf32>,
        %add3A_123 = arith.constant 3072 : i32
        %add3A_124 = arith.addi %add3A_123, %mul3A_50 : i32
        %get3A_125 = arith.index_cast %add3A_124 : i32 to index
        %get3A_126 = tpu.vector_load %arg14[%get3A_125] {strides = array<i32>} : memref<4096xf32, #tpu.memory_space<vmem>>, vector<16xf32>,
        %sub3A_127 = arith.constant 1.000000e+00 : f32
        %sub3A_128 = vector.broadcast %sub3A_127 : f32 to vector<16xf32>
        %sub3A_129 = arith.subf %sub3A_128, %get3A_100 : vector<16xf32>
        %mul3A_130 = arith.mulf %get3A_114, %sub3A_129 : vector<16xf32>
        %mul3A_131 = arith.mulf %get3A_118, %get3A_104 : vector<16xf32>
        %add3A_132 = arith.addf %mul3A_130, %mul3A_131 : vector<16xf32>
        %sub3A_133 = arith.constant 1.000000e+00 : f32
        %sub3A_134 = vector.broadcast %sub3A_133 : f32 to vector<16xf32>
        %sub3A_135 = arith.subf %sub3A_134, %get3A_108 : vector<16xf32>
        %mul3A_136 = arith.mulf %add3A_132, %sub3A_135 : vector<16xf32>
        %mul3A_137 = arith.mulf %get3A_122, %sub3A_129 : vector<16xf32>
        %mul3A_138 = arith.mulf %get3A_126, %get3A_104 : vector<16xf32>
        %add3A_139 = arith.addf %mul3A_137, %mul3A_138 : vector<16xf32>
        %mul3A_140 = arith.mulf %add3A_139, %get3A_112 : vector<16xf32>
        %add3A_141 = arith.addf %mul3A_136, %mul3A_140 : vector<16xf32>
        %add3A_142 = arith.addf %add3A_96, %add3A_141 : vector<16xf32>
        %swap3A = arith.index_cast %mul3A_50 : i32 to index
        %swap3A_143 = tpu.vector_load %arg21[%swap3A] {strides = array<i32>} : memref<1024xf32, #tpu.memory_space<vmem>>, vector<16xf32>,
        tpu.vector_store %arg21[%swap3A], %add3A_142 {strides = array<i32>} : memref<1024xf32, #tpu.memory_space<vmem>>, vector<16xf32>,
      }
      %scan3A_47 = arith.constant 64 : i32
      "tpu.region"() ({
        %run_scoped3A = tpu.sem_alloc : memref<!tpu.dma_semaphore, #tpu.memory_space<semaphore_mem>>
        %dma_start3A = tpu.memref_slice %arg8[%add3A_11] : memref<1048576xf32, #tpu.memory_space<hbm>> -> memref<1024xf32, #tpu.memory_space<hbm>>
        %dma_start3A_48 = tpu.memref_slice %arg8[%add3A_11] : memref<1048576xf32, #tpu.memory_space<hbm>> -> memref<1024xf32, #tpu.memory_space<hbm>>
        tpu.enqueue_dma source(%arg21 : memref<1024xf32, #tpu.memory_space<vmem>>) target(%dma_start3A_48 : memref<1024xf32, #tpu.memory_space<hbm>>) target_semaphore(%run_scoped3A : memref<!tpu.dma_semaphore, #tpu.memory_space<semaphore_mem>>)
        %dma_wait3A = tpu.memref_slice %arg8[%add3A_11] : memref<1048576xf32, #tpu.memory_space<hbm>> -> memref<1024xf32, #tpu.memory_space<hbm>>
        %dma_wait3A_49 = tpu.memref_slice %arg8[%add3A_11] : memref<1048576xf32, #tpu.memory_space<hbm>> -> memref<1024xf32, #tpu.memory_space<hbm>>
        tpu.wait_dma2 semaphore(%run_scoped3A : memref<!tpu.dma_semaphore, #tpu.memory_space<semaphore_mem>>) src(%arg21 : memref<1024xf32, #tpu.memory_space<vmem>>) dst(%dma_wait3A_49 : memref<1024xf32, #tpu.memory_space<hbm>>)
        tpu.yield
      }) : () -> ()
    }
    %scan3A_7 = arith.constant 32 : i32
    return
  }
}

</mosaic_0001>

<sc_bundles>
// kernel: kernel.3.cloned.1.call-start
scs
__scs_entry_jumppad:
0x0: {  	(pc) =	sbr.rel $0x88, $3  }
0x1: {  	(tag) =	ssettag $0x0;
	lr =	simm.s32 $0x1  }
0x2: {  	[smem:$0x3F9C] =	sst lr;
	_ =	strace $0xD0000000  }
0x3: {  	_ = 	snop  }
0x4: {  	_ = 	snop  }
0x5: {  	_ = 	snop  }
0x6: {  	_ = 	snop  }
0x7: {  	_ = 	snop  }
__scs_overlays_trampoline_lowered:
0x8: {  	[smem:$0x3FAB] =	sst s0  }
0x9: {  	[smem:$0x3FAC] =	sst s1  }
0xa: {  	[smem:$0x3FAD] =	sst s2  }
0xb: {  	[smem:$0x3FAE] =	sst s3  }
0xc: {  	[smem:$0x3FAF] =	sst s4  }
0xd: {  	[smem:$0x3FB0] =	sst s5  }
0xe: {  	[smem:$0x3FB1] =	sst s6  }
0xf: {  	[smem:$0x3FB2] =	sst s7  }
0x10: {  	[smem:$0x3FB3] =	sst s8  }
0x11: {  	[smem:$0x3FB4] =	sst s9;
	s0 =	simm.s32 @!p0 $0x0  }
0x12: {  	s1 =	sld [smem:$0x3F9A];
	s0 =	simm.s32 @p0 $0x1  }
0x13: {  	[smem:$0x3FB5] =	sst s0;
	s0 =	simm.s32 @!p1 $0x0  }
0x14: {  	s2 =	sld [smem:$0x3F99];
	s0 =	simm.s32 @p1 $0x1  }
0x15: {  	[smem:$0x3FB6] =	sst s0;
	s0 =	simm.s32 @!p2 $0x0  }
0x16: {  	s3 =	sld [smem:$0x3FDB];
	s0 =	simm.s32 @p2 $0x1  }
0x17: {  	s4 =	simm.s32 $0x1BF5;
	[smem:$0x3FB8] =	sst s0  }
0x18: {  	s0 =	sld [smem:$0x3F9B];
	_ =	swait.ge [sflag:s4], $0x0  }
0x19: {  	s7 =	sld [smem:$0x3F9C]  }
0x1a: {  	s8 =	sadd.s32 $0xFFFFE003, lr  }
0x1b: {  	s9 =	sadd.s32 $0xFFFFFEF7, lr;
	s5 =	simm.s32 $0xFFFFFFFF;
	p2 =	slt.u32 s8, $0xFFFFF086  }
0x1c: {  	p1 =	slt.u32 s9, $0xF7A;
	s5 =	simm.s32 @!p2 $0x0  }
0x1d: {  	s5 =	simm.s32 @p1 $0x1;
	p0 =	seq.s32 s7, s2  }
0x1e: {  	s7 =	smul.u32 @!p0 $0xF7A, s2;
	p2 =	seq.s32 @!p0 s5, $0x0  }
0x1f: {  	s9 =	smul.u32 $0xF7A, s1;
	s8 =	simm.s32 @!p0 $0x1BF5;
	p2 =	por !p2, p0  }
0x20: {  	[sflag:s8] =	ssyncset.s32 @!p0 $0xFFFFF086;
	s6 =	sadd.s32 @!p0 s3, s7;
	s7 =	simm.s32 @!p0 $0x108  }
0x21: {  	s3 =	sadd.s32 s3, s9;
	s6 =	sadd.s32 @!p0 $0x88, s6;
	s7 =	simm.s32 @p2 $0x1082  }
0x22: {  	[simem:s7], [sflag:s8] =	dma.local @!p0 [hbm:s6], $0xF7A  }
0x23: {  	s9 =	sor.u32 $0xD0000000, s2;
	s6 =	simm.s32 $0x108;
	_ =	swait.ge @!p0 [sflag:s8], $0x0  }
0x24: {  	s3 =	sadd.s32 $0x88, s3;
	s6 =	simm.s32 @!p1 $0x1082;
	[sflag:s4] =	ssyncset.s32 $0xFFFFF086  }
0x25: {  	[simem:s6], [sflag:s4] =	dma.local [hbm:s3], $0xF7A  }
0x26: {  	[smem:$0x3F9C] =	sst s1;
	(tag) =	ssettag s2;
	_ =	strace s9  }
0x27: {  	s1 =	sld [smem:$0x3FAC]  }
0x28: {  	s2 =	sld [smem:$0x3FAD]  }
0x29: {  	s4 =	sld [smem:$0x3FAF]  }
0x2a: {  	p0 =	seq.s32 s5, $0x0;
	s5 =	sld [smem:$0x3FB0]  }
0x2b: {  	s6 =	sld [smem:$0x3FB1]  }
0x2c: {  	s7 =	sld [smem:$0x3FB2]  }
0x2d: {  	s3 =	simm.s32 $0x108;
	s8 =	sld [smem:$0x3FB3]  }
0x2e: {  	s3 =	simm.s32 @!p0 $0x1082;
	s9 =	sld [smem:$0x3FB4]  }
0x2f: {  	lr =	sadd.s32 s0, s3;
	s0 =	sld [smem:$0x3FAB]  }
0x30: {  	s3 =	sld [smem:$0x3FAE]  }
0x31: {  	[smem:$0x3FB7] =	sst s10  }
0x32: {  	s10 =	sld [smem:$0x3FB5];
	_ =	sdelay $0x3  }
0x33: {  	p0 =	seq.s32 s10, $0x1;
	s10 =	sld [smem:$0x3FB7];
	_ =	sdelay $0x3  }
0x34: {  	[smem:$0x3FB7] =	sst s10  }
0x35: {  	s10 =	sld [smem:$0x3FB6];
	_ =	sdelay $0x3  }
0x36: {  	p1 =	seq.s32 s10, $0x1;
	s10 =	sld [smem:$0x3FB7];
	_ =	sdelay $0x3  }
0x37: {  	[smem:$0x3FB7] =	sst s10  }
0x38: {  	s10 =	sld [smem:$0x3FB8]  }
0x39: {  	_ = 	snop;
	(pc) =	sbr.ind lr, $3  }
0x3a: {  	_ = 	snop  }
0x3b: {  	_ = 	snop  }
0x3c: {  	p2 =	seq.s32 s10, $0x1;
	s10 =	sld [smem:$0x3FB7]  }
0x3d: {  	_ =	shalt  }
0x3e: {  	_ =	shalt  }
0x3f: {  	_ =	shalt  }
0x40: {  	_ =	shalt  }
0x41: {  	_ =	shalt  }
0x42: {  	_ =	shalt  }
0x43: {  	_ =	shalt  }
0x44: {  	_ =	shalt  }
0x45: {  	_ =	shalt  }
0x46: {  	_ =	shalt  }
0x47: {  	_ =	shalt  }
0x48: {  	_ =	shalt  }
0x49: {  	_ =	shalt  }
0x4a: {  	_ =	shalt  }
0x4b: {  	_ =	shalt  }
0x4c: {  	_ =	shalt  }
0x4d: {  	_ =	shalt  }
0x4e: {  	_ =	shalt  }
0x4f: {  	_ =	shalt  }
0x50: {  	_ =	shalt  }
0x51: {  	_ =	shalt  }
0x52: {  	_ =	shalt  }
0x53: {  	_ =	shalt  }
0x54: {  	_ =	shalt  }
0x55: {  	_ =	shalt  }
0x56: {  	_ =	shalt  }
0x57: {  	_ =	shalt  }
0x58: {  	_ =	shalt  }
0x59: {  	_ =	shalt  }
0x5a: {  	_ =	shalt  }
0x5b: {  	_ =	shalt  }
0x5c: {  	_ =	shalt  }
0x5d: {  	_ =	shalt  }
0x5e: {  	_ =	shalt  }
0x5f: {  	_ =	shalt  }
0x60: {  	_ =	shalt  }
0x61: {  	_ =	shalt  }
0x62: {  	_ =	shalt  }
0x63: {  	_ =	shalt  }
0x64: {  	_ =	shalt  }
0x65: {  	_ =	shalt  }
0x66: {  	_ =	shalt  }
0x67: {  	_ =	shalt  }
0x68: {  	_ =	shalt  }
0x69: {  	_ =	shalt  }
0x6a: {  	_ =	shalt  }
0x6b: {  	_ =	shalt  }
0x6c: {  	_ =	shalt  }
0x6d: {  	_ =	shalt  }
0x6e: {  	_ =	shalt  }
0x6f: {  	_ =	shalt  }
0x70: {  	_ =	shalt  }
0x71: {  	_ =	shalt  }
0x72: {  	_ =	shalt  }
0x73: {  	_ =	shalt  }
0x74: {  	_ =	shalt  }
0x75: {  	_ =	shalt  }
0x76: {  	_ =	shalt  }
0x77: {  	_ =	shalt  }
0x78: {  	_ =	shalt  }
0x79: {  	_ =	shalt  }
0x7a: {  	_ =	shalt  }
0x7b: {  	_ =	shalt  }
0x7c: {  	_ =	shalt  }
0x7d: {  	_ =	shalt  }
0x7e: {  	_ =	shalt  }
0x7f: {  	_ =	shalt  }
0x80: {  	_ =	shalt  }
0x81: {  	_ =	shalt  }
0x82: {  	_ =	shalt  }
0x83: {  	_ =	shalt  }
0x84: {  	_ =	shalt  }
0x85: {  	_ =	shalt  }
0x86: {  	_ =	shalt  }
0x87: {  	_ =	shalt  }
.Lfunc_end0:
.L_simem_size_0:
called_computation.1_lowered:
.L_overlay_start_0:
0x88: {  	s2 =	sld [smem:$0x3FD9]  }
0x89: {  	s3 =	sld [smem:$0x3FFE];
	_ =	sdelay $0x1  }
0x8a: {  	s1 =	srdreg.scid  }
0x8b: {  	s0 =	sand.u32 $0x1, s1  }
0x8c: {  	s17 =	sshll.u32 s0, $0xA;
	s2 =	sadd.s32 s3, s2  }
0x8d: {  	s2 =	sadd.s32 s2, s17  }
0x8e: {  	[smem:$0x3FC3] =	sst s2  }
0x8f: {  	_ = 	snop  }
0x90: {  	s2 =	sld [smem:$0x3FD0];
	(tm) =	ssettm $0x1  }
0x91: {  	s18 =	sld [smem:$0x3FFB];
	_ =	sdelay $0x3  }
0x92: {  	_ =	strace s18  }
0x93: {  	s3 =	sld [smem:$0x3FFC];
	_ =	sdelay $0x3  }
0x94: {  	_ =	strace s3  }
0x95: {  	s3 =	sld [smem:$0x3FFD];
	_ =	sdelay $0x3  }
0x96: {  	_ =	strace s3  }
0x97: {  	_ =	strace $0x8FFFFFFF  }
0x98: {  	s19 =	sld [smem:$0x3FDB];
	_ =	sdelay $0x1  }
0x99: {  	s4 =	simm.s32 $_scs_section_size  }
0x9a: {  	s5 =	simm.s32 $_size__tile_overlayer_lowered;
	s6 =	simm.s32 $_tile_overlayer_lowered  }
0x9b: {  	s22 =	simm.s32 $0x1BFF;
	s21 =	sshll.u32 s6, $0x1;
	s3 =	sadd.s32 s4, s19  }
0x9c: {  	s7 =	simm.s32 $0x0;
	s20 =	sshll.u32 s5, $0x1;
	s5 =	sadd.s32 s21, s3  }
0x9d: {  	[timem:s7], [sflag:s22] =	dma.local [hbm:s5], s20  }
0x9e: {  	_ =	swait.ge [sflag:s22], s20  }
0x9f: {  	s4 =	ssub.s32 $0x0, s20;
	[sflag:s22] =	ssyncset.done $0x0  }
0xa0: {  	[sflag:s22] =	ssyncadd.s32 s4;
	_ =	sdelay $0x1  }
0xa1: {  	s23 =	simm.s32 $0x1B8B  }
0xa2: {  	_ =	swait.ge [sflag:s23], $0x1  }
0xa3: {  	[sflag:s23] =	ssyncset.done $0x0  }
0xa4: {  	s25 =	simm.s32 $0x1B8E;
	s24 =	sld [smem:$0x3FFE];
	[sflag:s23] =	ssyncadd.s32 $0xFFFFFFFF  }
0xa5: {  	s26 =	simm.s32 $execute0_lowered;
	[smem:$0x3FD2] =	sst s25  }
0xa6: {  	s5 =	sshll.u32 s26, $0x1;
	_ =	strace $0x80000049;
	[dreg:$0x1] =	wrdreg $0xFFFFFFFF  }
0xa7: {  	s28 =	simm.s32 $_size_execute0_lowered;
	s3 =	sadd.s32 s3, s5;
	[dreg:$0x0] =	wrdreg $0x0  }
0xa8: {  	s5 =	sshll.u32 s28, $0x1;
	[dreg:$0x2] =	wrdreg s3  }
0xa9: {  	[dreg:$0x3] =	wrdreg s5  }
0xaa: {  	[dreg:$0x4] =	wrdreg $0xC0  }
0xab: {  	_ =	task [dreg:s7], $0x5FFFF  }
0xac: {  	[dreg:$0x1] =	wrdreg $0xFFFFFFFF  }
0xad: {  	[dreg:$0x0] =	wrdreg $0x60  }
0xae: {  	[dreg:$0x2] =	wrdreg s24  }
0xaf: {  	[dreg:$0x3] =	wrdreg s2  }
0xb0: {  	[dreg:$0x4] =	wrdreg $0x9  }
0xb1: {  	_ =	task.clear_ibuf [dreg:s7], $0x5FFFF;
	_ =	strace $0x90000049  }
0xb2: {  	s29 =	simm.s32 $0x9;
	_ =	strace $0x8000004B  }
0xb3: {  	_ =	swait.ge [sflag:s29], $0x1  }
0xb4: {  	[sflag:s29] =	ssyncadd.s32 $0xFFFFFFFF  }
0xb5: {  	_ =	strace $0x9000004B  }
0xb6: {  	_ =	sfence  }
0xb7: {  	s30 =	sld [smem:$0x0];
	_ =	sdelay $0x2  }
0xb8: {  	s31 =	sshll.u32 s1, $0xD;
	s1 =	sshrl.u32 s1, $0x2  }
0xb9: {  	s3 =	sand.u32 $0x4000, s31;
	s1 =	sadd.s32 s1, s30  }
0xba: {  	s0 =	sor.u32 s3, s0;
	s1 =	sshll.u32 s1, $0x11  }
0xbb: {  	s0 =	sor.u32 s1, s0  }
0xbc: {  	s0 =	sadd.s32 $0x8F2B, s0  }
0xbd: {  	[sflag:s0] =	ssyncadd.remote.s32 $0x1  }
0xbe: {  	_ =	sfence.sel $0xFFFF  }
0xbf: {  	[dreg:$0x0] =	wrdreg $0xFFFFFFFF;
	(pc) =	sbr.abs _section_cstart, $3  }
0xc0: {  	[dreg:$0x1] =	wrdreg $0xFFFFFFFF  }
0xc1: {  	_ =	task.clear_ibuf [dreg:s7], $0x2FFFF;
	_ =	strace $0x9FFFFFFF  }
0xc2: {  	(tm) =	ssettm $0x7FFFFFFF  }
0xc3: {  	_ =	shalt  }
tec
execute0_lowered:
.L_overlay_start_1:
0x0: {  	(tag) =	ssettag $0x1  }
0x1: {  	s9 =	rddreg [dreg:$0x0]  }
0x2: {  	s1 =	rddreg [dreg:$0x1]  }
0x3: {  	s0 =	rddreg [dreg:$0x2]  }
0x4: {  	s2 =	simm.s32 $0x0;
	s5 =	srdreg.scid;
	s14 =	simm.s32 $0x16C08  }
0x5: {  	s15 =	simm.s32 $0x400;
	s16 =	simm.s32 $0x80;
	s17 =	simm.s32 $0x1  }
0x6: {  	s18 =	simm.s32 $0x1AE10;
	s19 =	simm.s32 $0x0;
	[smem:$0x7FF] =	sst s2  }
0x7: {  	s3 =	sadd.s32 $0x221C00, s9;
	s4 =	sadd.s32 $0x201C00, s9;
	s6 =	sadd.s32 $0x1C00, s9  }
0x8: {  	s7 =	sadd.s32 $0x244800, s9;
	s10 =	sand.u32 $0x1, s5;
	s8 =	sadd.s32 $0x242600, s9  }
0x9: {  	s5 =	stileid.u32;
	s9 =	sadd.s32 $0x241C00, s9;
	s11 =	ssub.s32 $0x2, s10  }
0xa: {  	s13 =	sshll.u32 s5, $0xD;
	s10 =	sshll.u32 s10, $0xC;
	s12 =	sshrl.u32 s11, $0x1  }
0xb: {  	_ =	strace $0x8000004A;
	s10 =	sor.u32 s10, s13;
	s11 =	ssub.s32 s11, s12  }
0xc: {  	s13 =	simm.s32 $0x2;
	s12 =	simm.s32 $0x6800;
	s11 =	smax.u32 s11, $0x1  }
.LBB2_1:
0xd: {  	[tilespmem:s12], [sflag:$0x2] =	stream.linear.gather [hbm4b:s8+s2], $0x10408, $0x38;
	[tilespmem:$0x1B210] =	vst v63  }
0xe: {  	_ =	swait.ge [sflag:s13], $0x10408  }
0xf: {  	[sflag:s13] =	ssyncset.done $0x0  }
0x10: {  	[sflag:s13] =	ssyncadd.s32 $0xFFFEFBF8  }
0x11: {  	[tilespmem:s14], [sflag:$0x2] =	stream.linear.gather [hbm4b:s9+s2], $0x4208, $0x38;
	[tilespmem:$0x1B210] =	vst v63  }
0x12: {  	_ =	swait.ge [sflag:s13], $0x4208  }
0x13: {  	[sflag:s13] =	ssyncset.done $0x0  }
0x14: {  	s20 =	simm.s32 $0x0;
	[sflag:s13] =	ssyncadd.s32 $0xFFFFBDF8  }
.LBB2_2:
0x15: {  	s21 =	sshll.u32 s20, $0x7  }
0x16: {  	s21 =	sadd.s32 s10, s21  }
0x17: {  	s23 =	simm.s32 $0x0;
	s22 =	sadd.s32 s3, s21  }
0x18: {  	[tilespmem:s23], [sflag:$0x2] =	stream.linear.gather [hbm4b:s22+s23], $0x400, $0x38;
	[tilespmem:$0x1B210] =	vst v63  }
0x19: {  	_ =	swait.ge [sflag:s13], $0x400  }
0x1a: {  	[sflag:s13] =	ssyncset.done $0x0  }
0x1b: {  	s31 =	sadd.s32 s4, s21;
	[sflag:s13] =	ssyncadd.s32 $0xFFFFFC00  }
0x1c: {  	[tilespmem:s15], [sflag:$0x2] =	stream.linear.gather [hbm4b:s31+s23], $0x400, $0x38;
	[tilespmem:$0x1B210] =	vst v63  }
0x1d: {  	_ =	swait.ge [sflag:s13], $0x400  }
0x1e: {  	[sflag:s13] =	ssyncset.done $0x0  }
0x1f: {  	s23 =	simm.s32 $0x0;
	[sflag:s13] =	ssyncadd.s32 $0xFFFFFC00  }
0x20: {  	v0 =	vld [tilespmem:s23+$0x400]  }
0x21: {  	v1 =	vld [tilespmem:s23+$0x0];
	_ =	sdelay $0x3  }
0x22: {  	v0 =	vmul.f32 $5.000000000e-01, v0  }
0x23: {  	v1 =	vmul.f32 $5.000000000e-01, v1  }
0x24: {  	v0 =	vadd.f32 $5.000000000e-01, v0  }
0x25: {  	v1 =	vadd.f32 $5.000000000e-01, v1  }
0x26: {  	v0 =	vadd.f32 $1.000000000e+00, v0  }
0x27: {  	v1 =	vadd.f32 $1.000000000e+00, v1  }
0x28: {  	v2 =	vmul.f32 $4.096000000e+03, v0;
	v0 =	vmul.f32 $2.048000000e+03, v0  }
0x29: {  	v3 =	vmul.f32 $4.096000000e+03, v1;
	v1 =	vmul.f32 $2.048000000e+03, v1  }
0x2a: {  	v2 =	vadd.f32 $-1.000000000e+00, v2;
	v4 =	vadd.f32 $-1.000000000e+00, v0  }
0x2b: {  	v3 =	vadd.f32 $-1.000000000e+00, v3;
	v1 =	vadd.f32 $-1.000000000e+00, v1  }
0x2c: {  	v0 =	vmul.f32 $5.000000000e-01, v2;
	v8 =	vmul.f32 $5.000000000e-01, v4  }
0x2d: {  	v5 =	vmul.f32 $5.000000000e-01, v3;
	v2 =	vmul.f32 $5.000000000e-01, v1  }
0x2e: {  	v3 =	vtrunc.f32 v0;
	v1 =	vtrunc.f32 v8  }
0x2f: {  	v6 =	vtrunc.f32 v5;
	v4 =	vcvt.f32.s32 v1  }
0x30: {  	v7 =	vtrunc.f32 v2;
	v1 =	vcvt.f32.s32 v6  }
0x31: {  	v6 =	vcvt.f32.s32 v3;
	v3 =	vcvt.f32.s32 v7;
	v7 =	vadd.s32 $0x1, v4  }
0x32: {  	v9 =	vcvt.s32.f32 v1;
	v10 =	vadd.s32 $0x1, v1;
	vm0 =	vlt.s32 v7, $0x7FF  }
0x33: {  	v11 =	vadd.s32 $0x1, v6;
	v13 =	vcvt.s32.f32 v4;
	v7 =	vnsel vm0, $0x7FF, v7  }
0x34: {  	s24 =	simm.s32 $0x80;
	s22 =	simm.s32 $0x10;
	v12 =	vadd.s32 $0x1, v3;
	vm0 =	vlt.s32 v10, $0xFFF;
	v7 =	vsub.s32 v7, v4  }
.LBB2_3:
0x35: {  	p0 =	sne.s32 s24, $0xFC0;
	v14 =	vld [tilespmem:s22+$0x400];
	vm1 =	vlt.s32 v11, $0xFFF;
	v8 =	vsub.f32 v8, v13;
	v13 =	vcvt.s32.f32 v7  }
0x36: {  	v10 =	vnsel vm0, $0xFFF, v10;
	vm0 =	vlt.s32 v12, $0x7FF;
	v15 =	vld [tilespmem:s22+$0x0];
	v11 =	vnsel vm1, $0xFFF, v11  }
0x37: {  	v16 =	vcvt.s32.f32 v6;
	v12 =	vnsel vm0, $0x7FF, v12;
	[tilespmem:s23+$0x5C00] =	vst v8;
	v8 =	vmul.f32 v13, v8  }
0x38: {  	v17 =	vcvt.s32.f32 v3;
	v13 =	vsub.s32 v10, v1;
	v11 =	vsub.s32 v11, v6  }
0x39: {  	v20 =	vsub.s32 v12, v3;
	v18 =	vcvt.s32.f32 v13;
	v19 =	vcvt.s32.f32 v11;
	[tilespmem:s23+$0x6400] =	vst v8  }
0x3a: {  	v5 =	vsub.f32 v5, v9;
	v9 =	vcvt.s32.f32 v20;
	v8 =	vmul.f32 $5.000000000e-01, v14  }
0x3b: {  	v0 =	vsub.f32 v0, v16;
	v2 =	vsub.f32 v2, v17;
	v14 =	vmul.f32 $5.000000000e-01, v15  }
0x3c: {  	v4 =	vshll.u32 v4, $0xB;
	v6 =	vshll.u32 v6, $0xC;
	v8 =	vadd.f32 $5.000000000e-01, v8;
	[tilespmem:s23+$0x4800] =	vst v5  }
0x3d: {  	v7 =	vshll.u32 v7, $0xB;
	v11 =	vshll.u32 v11, $0xC;
	v14 =	vadd.f32 $5.000000000e-01, v14;
	[tilespmem:s23+$0x5800] =	vst v0  }
0x3e: {  	v3 =	vadd.s32 v3, v4;
	v1 =	vadd.s32 v1, v6;
	v8 =	vadd.f32 $1.000000000e+00, v8;
	[tilespmem:s23+$0x4C00] =	vst v2  }
0x3f: {  	v5 =	vmul.f32 v18, v5;
	v0 =	vmul.f32 v19, v0;
	v14 =	vadd.f32 $1.000000000e+00, v14;
	[tilespmem:s23+$0x800] =	vst v1  }
0x40: {  	v1 =	vadd.s32 v1, v11;
	v15 =	vmul.f32 $4.096000000e+03, v8;
	v8 =	vmul.f32 $2.048000000e+03, v8;
	[tilespmem:s23+$0x1800] =	vst v3  }
0x41: {  	v3 =	vadd.s32 v3, v7;
	v11 =	vmul.f32 $4.096000000e+03, v14;
	v14 =	vmul.f32 $2.048000000e+03, v14;
	[tilespmem:s23+$0x5000] =	vst v5  }
0x42: {  	v2 =	vmul.f32 v9, v2;
	v5 =	vadd.f32 $-1.000000000e+00, v15;
	v7 =	vadd.f32 $-1.000000000e+00, v8;
	[tilespmem:s23+$0x6000] =	vst v0  }
0x43: {  	v9 =	vadd.f32 $-1.000000000e+00, v11;
	v11 =	vadd.f32 $-1.000000000e+00, v14;
	[tilespmem:s23+$0x1000] =	vst v1;
	v1 =	vadd.s32 v13, v1  }
0x44: {  	v0 =	vmul.f32 $5.000000000e-01, v5;
	v8 =	vmul.f32 $5.000000000e-01, v7;
	v7 =	vadd.s32 v20, v3;
	[tilespmem:s23+$0x5400] =	vst v2  }
0x45: {  	v6 =	vadd.s32 v10, v6;
	v5 =	vmul.f32 $5.000000000e-01, v9;
	v2 =	vmul.f32 $5.000000000e-01, v11;
	[tilespmem:s23+$0x1400] =	vst v1  }
0x46: {  	v10 =	vadd.s32 v12, v4;
	v9 =	vtrunc.f32 v0;
	v1 =	vtrunc.f32 v8;
	[tilespmem:s23+$0x2400] =	vst v7  }
0x47: {  	v7 =	vtrunc.f32 v5;
	v4 =	vcvt.f32.s32 v1;
	[tilespmem:s23+$0x2000] =	vst v3  }
.Ltmp0:
0x48: {  	v3 =	vtrunc.f32 v2;
	v1 =	vcvt.f32.s32 v7;
	[tilespmem:s23+$0xC00] =	vst v6;
	(pc) =	sbr.rel @p0 .LBB2_3-.Ltmp0, $4  }
0x49: {  	v6 =	vcvt.f32.s32 v9;
	v3 =	vcvt.f32.s32 v3;
	v7 =	vadd.s32 $0x1, v4;
	[tilespmem:s23+$0x1C00] =	vst v10;
	s23 =	smov.u32 s22  }
0x4a: {  	v9 =	vcvt.s32.f32 v1;
	v10 =	vadd.s32 $0x1, v1;
	vm0 =	vlt.s32 v7, $0x7FF  }
0x4b: {  	v13 =	vcvt.s32.f32 v4;
	v11 =	vadd.s32 $0x1, v6;
	v7 =	vnsel vm0, $0x7FF, v7  }
0x4c: {  	s22 =	sshra.s32 s24, $0x2;
	s24 =	sadd.s32 $0x40, s24;
	v12 =	vadd.s32 $0x1, v3;
	vm0 =	vlt.s32 v10, $0xFFF;
	v7 =	vsub.s32 v7, v4  }
0x4d: {  	v14 =	vld [tilespmem:s22+$0x400]  }
0x4e: {  	vm1 =	vlt.s32 v11, $0xFFF;
	v8 =	vsub.f32 v8, v13;
	v61 =	vcvt.s32.f32 v7;
	v15 =	vld [tilespmem:s22+$0x0]  }
0x4f: {  	v10 =	vnsel vm0, $0xFFF, v10;
	vm11 =	vlt.s32 v12, $0x7FF;
	v16 =	vcvt.s32.f32 v6  }
0x50: {  	v18 =	vcvt.s32.f32 v3;
	v5 =	vsub.f32 v5, v9;
	v4 =	vshll.u32 v4, $0xB  }
0x51: {  	v21 =	vshll.u32 v7, $0xB;
	v11 =	vnsel vm1, $0xFFF, v11;
	v17 =	vsub.s32 v10, v1  }
0x52: {  	v12 =	vnsel vm11, $0x7FF, v12;
	v24 =	vadd.s32 v3, v4;
	v14 =	vmul.f32 $5.000000000e-01, v14  }
0x53: {  	v13 =	vmul.f32 v61, v8;
	v11 =	vsub.s32 v11, v6;
	v15 =	vmul.f32 $5.000000000e-01, v15  }
0x54: {  	v19 =	vcvt.s32.f32 v17;
	v0 =	vsub.f32 v0, v16;
	v14 =	vadd.f32 $5.000000000e-01, v14  }
0x55: {  	v62 =	vsub.s32 v12, v3;
	v2 =	vsub.f32 v2, v18;
	v15 =	vadd.f32 $5.000000000e-01, v15  }
0x56: {  	v18 =	vshll.u32 v6, $0xC;
	[tilespmem:s23+$0x5C00] =	vst v8;
	v20 =	vcvt.s32.f32 v11;
	v14 =	vadd.f32 $1.000000000e+00, v14  }
0x57: {  	[tilespmem:s23+$0x4800] =	vst v5;
	v63 =	vcvt.s32.f32 v62;
	v26 =	vmul.f32 v19, v5;
	v25 =	vadd.f32 $1.000000000e+00, v15  }
0x58: {  	v7 =	vadd.s32 v24, v21;
	[tilespmem:s23+$0x1800] =	vst v24;
	v23 =	vmul.f32 $2.048000000e+03, v14;
	v14 =	vmul.f32 $4.096000000e+03, v14  }
0x59: {  	v38 =	vadd.s32 v12, v4;
	[tilespmem:s23+$0x6400] =	vst v13;
	v29 =	vmul.f32 $4.096000000e+03, v25;
	v13 =	vmul.f32 $2.048000000e+03, v25  }
0x5a: {  	[tilespmem:s23+$0x2000] =	vst v7;
	v27 =	vmul.f32 v20, v0;
	v8 =	vadd.f32 $-1.000000000e+00, v23;
	v14 =	vadd.f32 $-1.000000000e+00, v14  }
0x5b: {  	[tilespmem:s23+$0x1C00] =	vst v38;
	v30 =	vmul.f32 v63, v2;
	v31 =	vadd.f32 $-1.000000000e+00, v29;
	v32 =	vadd.f32 $-1.000000000e+00, v13  }
0x5c: {  	v11 =	vshll.u32 v11, $0xC;
	[tilespmem:s23+$0x5800] =	vst v0;
	v8 =	vmul.f32 $5.000000000e-01, v8;
	v34 =	vmul.f32 $5.000000000e-01, v14  }
0x5d: {  	v22 =	vadd.s32 v1, v18;
	[tilespmem:s23+$0x4C00] =	vst v2;
	v2 =	vmul.f32 $5.000000000e-01, v31;
	v36 =	vmul.f32 $5.000000000e-01, v32  }
0x5e: {  	v9 =	vadd.s32 v62, v7;
	[tilespmem:s23+$0x800] =	vst v22;
	v35 =	vtrunc.f32 v8;
	v37 =	vtrunc.f32 v34  }
0x5f: {  	v6 =	vadd.s32 v10, v18;
	[tilespmem:s23+$0x2400] =	vst v9;
	v39 =	vtrunc.f32 v2;
	v42 =	vtrunc.f32 v36  }
0x60: {  	v28 =	vadd.s32 v22, v11;
	[tilespmem:s23+$0xC00] =	vst v6;
	v14 =	vcvt.f32.s32 v35;
	v41 =	vcvt.f32.s32 v39  }
0x61: {  	v33 =	vadd.s32 v17, v28;
	[tilespmem:s23+$0x1000] =	vst v28;
	v43 =	vcvt.f32.s32 v37;
	v4 =	vcvt.f32.s32 v42  }
0x62: {  	[tilespmem:s23+$0x5000] =	vst v26;
	v40 =	vadd.s32 $0x1, v14;
	v44 =	vcvt.s32.f32 v14;
	v45 =	vcvt.s32.f32 v41  }
0x63: {  	[tilespmem:s23+$0x1400] =	vst v33;
	v46 =	vadd.s32 $0x1, v41;
	v48 =	vadd.s32 $0x1, v43;
	v49 =	vadd.s32 $0x1, v4  }
0x64: {  	[tilespmem:s23+$0x6000] =	vst v27;
	v50 =	vcvt.s32.f32 v43;
	v51 =	vcvt.s32.f32 v4;
	v3 =	vshll.u32 v43, $0xC  }
0x65: {  	[tilespmem:s23+$0x5400] =	vst v30;
	v56 =	vshll.u32 v14, $0xB;
	v1 =	vadd.s32 v41, v3;
	v8 =	vsub.f32 v8, v44  }
0x66: {  	vm12 =	vlt.s32 v40, $0x7FF;
	vm13 =	vlt.s32 v46, $0xFFF;
	v2 =	vsub.f32 v2, v45;
	[tilespmem:s22+$0x800] =	vst v1  }
0x67: {  	vm14 =	vlt.s32 v48, $0xFFF;
	vm15 =	vlt.s32 v49, $0x7FF;
	v0 =	vsub.f32 v34, v50;
	[tilespmem:s22+$0x5C00] =	vst v8  }
0x68: {  	v11 =	vnsel vm12, $0x7FF, v40;
	v7 =	vnsel vm13, $0xFFF, v46;
	v5 =	vsub.f32 v36, v51;
	[tilespmem:s22+$0x4800] =	vst v2  }
0x69: {  	v6 =	vnsel vm14, $0xFFF, v48;
	v52 =	vnsel vm15, $0x7FF, v49;
	v11 =	vsub.s32 v11, v14;
	[tilespmem:s22+$0x5800] =	vst v0  }
0x6a: {  	v53 =	vsub.s32 v7, v41;
	v57 =	vsub.s32 v52, v4;
	v4 =	vadd.s32 v4, v56;
	[tilespmem:s22+$0x4C00] =	vst v5  }
0x6b: {  	v6 =	vsub.s32 v6, v43;
	v62 =	vadd.s32 v7, v3;
	v63 =	vadd.s32 v52, v56;
	[tilespmem:s22+$0x1800] =	vst v4  }
0x6c: {  	v47 =	vcvt.s32.f32 v11;
	v55 =	vcvt.s32.f32 v6;
	v6 =	vshll.u32 v6, $0xC;
	[tilespmem:s22+$0xC00] =	vst v62  }
0x6d: {  	v54 =	vcvt.s32.f32 v53;
	[tilespmem:s22+$0x1C00] =	vst v63;
	v1 =	vadd.s32 v1, v6  }
0x6e: {  	v10 =	vmul.f32 v47, v8;
	[tilespmem:s22+$0x1000] =	vst v1;
	v1 =	vadd.s32 v53, v1  }
0x6f: {  	v58 =	vcvt.s32.f32 v57;
	v2 =	vmul.f32 v54, v2;
	[tilespmem:s22+$0x1400] =	vst v1  }
0x70: {  	v0 =	vmul.f32 v55, v0;
	[tilespmem:s22+$0x6400] =	vst v10  }
0x71: {  	v59 =	vmul.f32 v58, v5;
	[tilespmem:s22+$0x5000] =	vst v2  }
0x72: {  	v60 =	vshll.u32 v11, $0xB;
	[tilespmem:s22+$0x6000] =	vst v0  }
0x73: {  	v2 =	vadd.s32 v4, v60;
	[tilespmem:s22+$0x5400] =	vst v59  }
0x74: {  	v61 =	vadd.s32 v57, v2;
	[tilespmem:s22+$0x2000] =	vst v2  }
0x75: {  	s24 =	simm.s32 $0x800;
	s23 =	simm.s32 $0x2800;
	[tilespmem:s22+$0x2400] =	vst v61;
	s22 =	simm.s32 $0x200  }
.LBB2_5:
0x76: {  	[tilespmem:s23], [sflag:$0x1] =	stream.indirect.gather [hbm4b:s6+s16], $0x1, s24, s16, $0xb8;
	[tilespmem:$0x1B210] =	vst v63  }
0x77: {  	s23 =	smov.u32 s22;
	p0 =	sne.s32 s22, $0x3E00  }
.Ltmp1:
0x78: {  	s22 =	sadd.s32 $0x200, s22;
	(pc) =	sbr.rel @p0 .LBB2_5-.Ltmp1, $3  }
0x79: {  	_ =	sdelay $0x1  }
0x7a: {  	s24 =	sshra.s32 s23, $0x2  }
0x7b: {  	s23 =	sadd.s32 $0x2800, s24;
	s24 =	sadd.s32 $0x800, s24  }
0x7c: {  	[tilespmem:s23], [sflag:$0x1] =	stream.indirect.gather [hbm4b:s6+s16], $0x1, s24, s16, $0xb8;
	[tilespmem:$0x1B210] =	vst v63  }
0x7d: {  	s22 =	simm.s32 $0x200;
	s23 =	simm.s32 $0x3800;
	s24 =	simm.s32 $0x1800  }
.LBB2_7:
0x7e: {  	[tilespmem:s23], [sflag:$0x1] =	stream.indirect.gather [hbm4b:s7+s16], $0x1, s24, s16, $0xb8;
	[tilespmem:$0x1B210] =	vst v63  }
0x7f: {  	s23 =	smov.u32 s22;
	p0 =	sne.s32 s22, $0x3E00  }
.Ltmp2:
0x80: {  	s22 =	sadd.s32 $0x200, s22;
	(pc) =	sbr.rel @p0 .LBB2_7-.Ltmp2, $3  }
0x81: {  	_ =	sdelay $0x1  }
0x82: {  	s24 =	sshra.s32 s23, $0x2  }
0x83: {  	s23 =	sadd.s32 $0x3800, s24;
	s24 =	sadd.s32 $0x1800, s24  }
0x84: {  	[tilespmem:s23], [sflag:$0x1] =	stream.indirect.gather [hbm4b:s7+s16], $0x1, s24, s16, $0xb8;
	[tilespmem:$0x1B210] =	vst v63  }
0x85: {  	s26 =	simm.s32 $0x0  }
0x86: {  	v0 =	vld [tilespmem:s26+$0x0]  }
0x87: {  	s25 =	simm.s32 $0x10;
	v1 =	vld [tilespmem:s26+$0x400]  }
0x88: {  	v2 =	vld [tilespmem:s25+$0x0]  }
0x89: {  	s22 =	simm.s32 $0x40;
	v3 =	vld [tilespmem:s25+$0x400]  }
0x8a: {  	s24 =	simm.s32 $0x20;
	v40 =	vld [tilespmem:s22+$0x400]  }
0x8b: {  	v9 =	vld [tilespmem:s24+$0x0];
	v0 =	vmul.f32 $5.000000000e-01, v0  }
0x8c: {  	v1 =	vmul.f32 $5.000000000e-01, v1  }
0x8d: {  	v2 =	vmul.f32 $5.000000000e-01, v2;
	v0 =	vadd.f32 $5.000000000e-01, v0  }
0x8e: {  	v3 =	vmul.f32 $5.000000000e-01, v3;
	v1 =	vadd.f32 $5.000000000e-01, v1  }
0x8f: {  	v40 =	vmul.f32 $5.000000000e-01, v40;
	v2 =	vadd.f32 $5.000000000e-01, v2;
	v0 =	vadd.f32 $1.000000000e+00, v0  }
0x90: {  	v9 =	vmul.f32 $5.000000000e-01, v9;
	v3 =	vadd.f32 $5.000000000e-01, v3;
	v1 =	vadd.f32 $1.000000000e+00, v1  }
0x91: {  	v40 =	vadd.f32 $5.000000000e-01, v40;
	v2 =	vadd.f32 $1.000000000e+00, v2;
	v4 =	vmul.f32 $1.024000000e+03, v0  }
0x92: {  	v3 =	vadd.f32 $1.000000000e+00, v3;
	v0 =	vmul.f32 $5.120000000e+02, v0;
	v5 =	vmul.f32 $5.120000000e+02, v1  }
0x93: {  	v60 =	vadd.f32 $1.000000000e+00, v40;
	v1 =	vmul.f32 $1.024000000e+03, v1;
	v8 =	vmul.f32 $1.024000000e+03, v2  }
0x94: {  	v10 =	vmul.f32 $5.120000000e+02, v3;
	v2 =	vmul.f32 $5.120000000e+02, v2;
	v4 =	vadd.f32 $-1.000000000e+00, v4  }
0x95: {  	v13 =	vld [tilespmem:s24+$0x400];
	v3 =	vmul.f32 $1.024000000e+03, v3;
	v6 =	vadd.f32 $-1.000000000e+00, v0;
	v5 =	vadd.f32 $-1.000000000e+00, v5  }
0x96: {  	v63 =	vmul.f32 $5.120000000e+02, v60;
	v1 =	vadd.f32 $-1.000000000e+00, v1;
	v8 =	vadd.f32 $-1.000000000e+00, v8  }
0x97: {  	v10 =	vadd.f32 $-1.000000000e+00, v10;
	v0 =	vmul.f32 $5.000000000e-01, v4;
	v11 =	vmul.f32 $5.000000000e-01, v6  }
0x98: {  	v2 =	vadd.f32 $-1.000000000e+00, v2;
	v4 =	vmul.f32 $5.000000000e-01, v5;
	v1 =	vmul.f32 $5.000000000e-01, v1  }
0x99: {  	v3 =	vadd.f32 $-1.000000000e+00, v3;
	v8 =	vmul.f32 $5.000000000e-01, v8;
	v10 =	vmul.f32 $5.000000000e-01, v10  }
0x9a: {  	v12 =	vmul.f32 $5.000000000e-01, v2;
	v2 =	vmul.f32 $5.000000000e-01, v13  }
0x9b: {  	v24 =	vmul.f32 $5.000000000e-01, v3;
	v5 =	vtrunc.f32 v0  }
0x9c: {  	s23 =	simm.s32 $0x30;
	v6 =	vtrunc.f32 v11;
	v7 =	vtrunc.f32 v4  }
0x9d: {  	v22 =	vld [tilespmem:s23+$0x400];
	v14 =	vtrunc.f32 v1;
	v13 =	vtrunc.f32 v10  }
0x9e: {  	v18 =	vtrunc.f32 v8;
	v3 =	vtrunc.f32 v12  }
0x9f: {  	v9 =	vadd.f32 $5.000000000e-01, v9;
	v21 =	vtrunc.f32 v24;
	v7 =	vcvt.f32.s32 v7  }
0xa0: {  	v6 =	vcvt.f32.s32 v6;
	v13 =	vcvt.f32.s32 v13  }
0xa1: {  	v9 =	vadd.f32 $1.000000000e+00, v9;
	v3 =	vcvt.f32.s32 v3;
	v14 =	vcvt.f32.s32 v14  }
0xa2: {  	v2 =	vadd.f32 $5.000000000e-01, v2;
	v33 =	vcvt.f32.s32 v5;
	v5 =	vmul.f32 $5.000000000e-01, v22  }
0xa3: {  	v26 =	vcvt.f32.s32 v21;
	v15 =	vcvt.s32.f32 v7;
	v7 =	vmul.u32 $0x82, v7  }
0xa4: {  	v27 =	vcvt.f32.s32 v18;
	v2 =	vadd.f32 $1.000000000e+00, v2;
	v17 =	vcvt.s32.f32 v6  }
0xa5: {  	v16 =	vmul.u32 $0x82, v13;
	v25 =	vadd.s32 v6, v7;
	v6 =	vmul.f32 $1.024000000e+03, v9  }
0xa6: {  	v19 =	vsub.f32 v4, v15;
	v4 =	vmul.f32 $1.024000000e+03, v2;
	v15 =	vcvt.s32.f32 v3  }
0xa7: {  	v16 =	vadd.s32 v3, v16;
	v3 =	vmul.f32 $5.120000000e+02, v9;
	v2 =	vmul.f32 $5.120000000e+02, v2  }
0xa8: {  	v20 =	vld [tilespmem:s23+$0x0];
	v13 =	vcvt.s32.f32 v13;
	v6 =	vadd.f32 $-1.000000000e+00, v6;
	v4 =	vadd.f32 $-1.000000000e+00, v4  }
0xa9: {  	v59 =	vadd.s32 $0xFFFF3C85, v25;
	v3 =	vadd.f32 $-1.000000000e+00, v3;
	v2 =	vadd.f32 $-1.000000000e+00, v2  }
0xaa: {  	v43 =	vadd.s32 $0xFFFF3C86, v25;
	v9 =	vmul.f32 $5.000000000e-01, v6;
	v7 =	vmul.f32 $5.000000000e-01, v4  }
0xab: {  	v4 =	vmul.u32 $0x102, v14;
	v6 =	vmul.f32 $5.000000000e-01, v3;
	v34 =	vmul.f32 $5.000000000e-01, v2  }
0xac: {  	v46 =	vadd.s32 $0xFFFF3C03, v25;
	v35 =	vtrunc.f32 v9;
	v36 =	vtrunc.f32 v7  }
0xad: {  	v3 =	vadd.s32 v33, v4;
	v4 =	vmul.f32 $5.000000000e-01, v20;
	v33 =	vcvt.s32.f32 v33  }
0xae: {  	v38 =	vadd.s32 $0xFFFCF803, v3;
	v39 =	vadd.s32 $0xFFFCF804, v3;
	v37 =	vadd.s32 $0xFFFCF905, v3  }
0xaf: {  	v41 =	vadd.s32 $0xFFFCF906, v3;
	v3 =	vcvt.s32.f32 v14;
	v2 =	vadd.f32 $5.000000000e-01, v4  }
0xb0: {  	v61 =	vadd.s32 $0xFFFF3C04, v25;
	v14 =	vtrunc.f32 v34;
	v36 =	vcvt.f32.s32 v36  }
0xb1: {  	v4 =	vadd.f32 $5.000000000e-01, v5;
	v5 =	vtrunc.f32 v6;
	v2 =	vadd.f32 $1.000000000e+00, v2  }
0xb2: {  	v20 =	vsub.f32 v10, v13;
	v22 =	vcvt.f32.s32 v14;
	v5 =	vcvt.f32.s32 v5  }
0xb3: {  	v28 =	vsub.f32 v1, v3;
	v4 =	vadd.f32 $1.000000000e+00, v4;
	v1 =	vmul.f32 $1.024000000e+03, v2  }
0xb4: {  	v51 =	vmul.u32 $0x102, v36;
	v3 =	vmul.u32 $0x82, v22;
	v13 =	vcvt.s32.f32 v22  }
0xb5: {  	v14 =	vcvt.s32.f32 v5;
	v10 =	vmul.f32 $1.024000000e+03, v4;
	v45 =	vld.idx.msk [tilespmem:v37+s12+$0x0], $0xffff;
	v1 =	vadd.f32 $-1.000000000e+00, v1  }
0xb6: {  	v2 =	vmul.f32 $5.120000000e+02, v2;
	v22 =	vmul.f32 $5.120000000e+02, v4;
	v21 =	vadd.s32 v5, v3;
	v47 =	vld.idx.msk [tilespmem:v39+s12+$0x0], $0xffff  }
0xb7: {  	v37 =	vsub.f32 v0, v33;
	v10 =	vadd.f32 $-1.000000000e+00, v10;
	v4 =	vmul.f32 $5.000000000e-01, v1;
	v1 =	vld [tilespmem:s22+$0x0]  }
0xb8: {  	v38 =	vld.idx.msk [tilespmem:v38+s12+$0x0], $0xffff;
	v33 =	vcvt.f32.s32 v35;
	v23 =	vadd.f32 $-1.000000000e+00, v2;
	v18 =	vadd.f32 $-1.000000000e+00, v22  }
0xb9: {  	v39 =	vsub.f32 v11, v17;
	v48 =	vsub.f32 $1.000000000e+00, v37;
	v2 =	vmul.f32 $5.000000000e-01, v10  }
0xba: {  	v35 =	vadd.f32 $-1.000000000e+00, v63;
	v5 =	vmul.f32 $5.000000000e-01, v23;
	v3 =	vmul.f32 $5.000000000e-01, v18  }
0xbb: {  	v50 =	vld.idx.msk [tilespmem:v43+s14+$0x0], $0xffff;
	v43 =	vsub.f32 $1.000000000e+00, v39;
	v18 =	vcvt.s32.f32 v26;
	v40 =	vmul.f32 v48, v45  }
0xbc: {  	v10 =	vmul.u32 $0x102, v26;
	v47 =	vmul.f32 v37, v47;
	v1 =	vmul.f32 $5.000000000e-01, v1  }
0xbd: {  	v48 =	vmul.f32 v48, v38;
	v45 =	vsub.f32 $1.000000000e+00, v28;
	v23 =	vtrunc.f32 v4  }
0xbe: {  	v22 =	vtrunc.f32 v2;
	v42 =	vtrunc.f32 v3;
	v1 =	vadd.f32 $5.000000000e-01, v1  }
0xbf: {  	v49 =	vld.idx.msk [tilespmem:v59+s14+$0x0], $0xffff;
	v10 =	vadd.s32 v27, v10;
	v26 =	vsub.f32 v24, v18;
	v24 =	vcvt.f32.s32 v42  }
0xc0: {  	v18 =	vsub.f32 v34, v13;
	v29 =	vadd.s32 $0xFFFCF803, v10;
	v1 =	vadd.f32 $1.000000000e+00, v1  }
0xc1: {  	v13 =	vmul.u32 $0x82, v24;
	v25 =	vcvt.s32.f32 v24;
	v24 =	vmul.f32 $1.024000000e+03, v60  }
0xc2: {  	v31 =	vadd.s32 $0xFFFCF804, v10;
	v32 =	vadd.s32 $0xFFFCF905, v10;
	v44 =	vmul.f32 $1.024000000e+03, v1  }
0xc3: {  	v41 =	vld.idx.msk [tilespmem:v41+s12+$0x0], $0xffff;
	v30 =	vadd.s32 $0xFFFCF906, v10;
	v10 =	vtrunc.f32 v5;
	v17 =	vadd.f32 $-1.000000000e+00, v24  }
0xc4: {  	v42 =	vld.idx.msk [tilespmem:v46+s14+$0x0], $0xffff;
	v46 =	vmul.f32 v43, v49;
	v1 =	vmul.f32 $5.120000000e+02, v1;
	v0 =	vadd.f32 $-1.000000000e+00, v44  }
0xc5: {  	v38 =	vadd.s32 v33, v51;
	v10 =	vcvt.f32.s32 v10;
	v24 =	vmul.f32 $5.000000000e-01, v17  }
0xc6: {  	v49 =	vmul.f32 v39, v50;
	v62 =	vadd.f32 $-1.000000000e+00, v1;
	v44 =	vld.idx.msk [tilespmem:v61+s14+$0x0], $0xffff;
	v1 =	vmul.f32 $5.000000000e-01, v0  }
0xc7: {  	v13 =	vadd.s32 v10, v13;
	v10 =	vcvt.s32.f32 v10;
	v17 =	vtrunc.f32 v24  }
0xc8: {  	s28 =	simm.s32 $0x140;
	v34 =	vsub.f32 $1.000000000e+00, v19;
	v0 =	vmul.f32 $5.000000000e-01, v62;
	v11 =	vtrunc.f32 v1  }
.LBB2_9:
0xc9: {  	s29 =	sshra.s32 s28, $0x2;
	p0 =	sne.s32 s28, $0xFC0;
	s28 =	sadd.s32 $0x40, s28;
	v50 =	vadd.s32 $0xFFFCF803, v38;
	v51 =	vadd.s32 $0xFFFCF804, v38;
	v37 =	vmul.f32 v37, v41  }
0xca: {  	v52 =	vadd.s32 $0xFFFCF905, v38;
	v38 =	vadd.s32 $0xFFFCF906, v38;
	v47 =	vadd.f32 v48, v47;
	v41 =	vld [tilespmem:s29+$0x0]  }
0xcb: {  	v39 =	vmul.f32 v39, v44;
	v48 =	vld [tilespmem:s29+$0x400];
	v37 =	vadd.f32 v40, v37;
	v40 =	vmul.f32 v43, v42  }
0xcc: {  	v36 =	vcvt.s32.f32 v36;
	v42 =	vmul.f32 v47, v45;
	v43 =	vadd.f32 v46, v49  }
0xcd: {  	v35 =	vmul.f32 $5.000000000e-01, v35;
	v37 =	vmul.f32 v37, v28;
	v39 =	vadd.f32 v40, v39;
	v28 =	vmovc v26  }
0xce: {  	v40 =	vtrunc.f32 v0;
	v26 =	vsub.f32 v7, v36;
	v36 =	vmul.f32 v43, v19;
	v19 =	vmovc v20;
	v20 =	vmovc v18  }
0xcf: {  	v7 =	vmovc v2;
	v2 =	vmovc v24;
	v41 =	vmul.f32 $5.000000000e-01, v41;
	v37 =	vadd.f32 v37, v42;
	v34 =	vmul.f32 v39, v34  }
0xd0: {  	v24 =	vtrunc.f32 v35;
	v18 =	vsub.f32 v3, v25;
	v3 =	vmov v35  }
0xd1: {  	v24 =	vcvt.f32.s32 v24;
	v25 =	vadd.f32 $0.0e+00, v37;
	v35 =	vadd.f32 v36, v34  }
0xd2: {  	v36 =	vadd.f32 $5.000000000e-01, v41;
	v34 =	vsub.f32 $1.000000000e+00, v19  }
0xd3: {  	v39 =	vmul.u32 $0x82, v24;
	v37 =	vcvt.f32.s32 v40;
	v25 =	vadd.f32 v25, v35  }
0xd4: {  	v40 =	vadd.s32 $0xFFFF3C85, v16;
	v35 =	vmul.f32 $5.000000000e-01, v48;
	v36 =	vadd.f32 $1.000000000e+00, v36  }
0xd5: {  	v42 =	vadd.s32 $0xFFFF3C86, v16;
	v41 =	vcvt.s32.f32 v27;
	v27 =	vmovc v33;
	v39 =	vadd.s32 v37, v39;
	[tilespmem:s26+$0x1AE10] =	vst v25;
	s26 =	smov.u32 s25;
	s25 =	smov.u32 s24;
	s24 =	smov.u32 s23  }
0xd6: {  	v25 =	vadd.f32 $5.000000000e-01, v35;
	v33 =	vmul.f32 $1.024000000e+03, v36;
	v35 =	vcvt.s32.f32 v37;
	s23 =	smov.u32 s22;
	s22 =	smov.u32 s29;
	v43 =	vld.idx.msk [tilespmem:v32+s12+$0x0], $0xffff;
	v32 =	vmovc v52  }
0xd7: {  	v44 =	vadd.s32 $0xFFFF3C03, v16;
	v36 =	vmul.f32 $5.120000000e+02, v36;
	v37 =	vsub.f32 v8, v41;
	v8 =	vmovc v9;
	v45 =	vld.idx.msk [tilespmem:v31+s12+$0x0], $0xffff;
	v31 =	vmovc v51  }
0xd8: {  	v47 =	vadd.s32 $0xFFFF3C04, v16;
	v16 =	vmovc v21;
	v41 =	vadd.f32 $-1.000000000e+00, v33;
	v46 =	vadd.f32 $1.000000000e+00, v25;
	v48 =	vld.idx.msk [tilespmem:v29+s12+$0x0], $0xffff;
	v29 =	vmovc v50  }
0xd9: {  	v21 =	vmovc v13;
	v13 =	vmovc v39;
	v36 =	vadd.f32 $-1.000000000e+00, v36;
	v25 =	vcvt.s32.f32 v24;
	v33 =	vcvt.f32.s32 v23;
	v23 =	vld.idx.msk [tilespmem:v40+s14+$0x0], $0xffff  }
0xda: {  	v9 =	vmovc v4;
	v4 =	vmovc v1;
	v49 =	vsub.f32 $1.000000000e+00, v37;
	v24 =	vmul.f32 $1.024000000e+03, v46;
	v1 =	vmul.f32 $5.000000000e-01, v41;
	v50 =	vld.idx.msk [tilespmem:v42+s14+$0x0], $0xffff  }
0xdb: {  	v39 =	vsub.f32 v12, v15;
	v15 =	vmovc v14;
	v51 =	vmul.f32 $5.000000000e-01, v36;
	v46 =	vmul.f32 $5.120000000e+02, v46;
	v41 =	vld.idx.msk [tilespmem:v30+s12+$0x0], $0xffff;
	v30 =	vmovc v38  }
.Ltmp3:
0xdc: {  	v14 =	vmovc v10;
	v10 =	vmovc v35;
	v36 =	vcvt.f32.s32 v22;
	v24 =	vadd.f32 $-1.000000000e+00, v24;
	v40 =	vmul.f32 v49, v43;
	v42 =	vld.idx.msk [tilespmem:v44+s14+$0x0], $0xffff;
	(pc) =	sbr.rel @p0 .LBB2_9-.Ltmp3, $4  }
0xdd: {  	v12 =	vmovc v6;
	v6 =	vmovc v5;
	v22 =	vtrunc.f32 v1;
	v35 =	vadd.f32 $-1.000000000e+00, v46;
	v43 =	vsub.f32 $1.000000000e+00, v39;
	v44 =	vld.idx.msk [tilespmem:v47+s14+$0x0], $0xffff  }
0xde: {  	v5 =	vmovc v0;
	v38 =	vmul.u32 $0x102, v36;
	v0 =	vmovc v51;
	v24 =	vmul.f32 $5.000000000e-01, v24;
	v47 =	vmul.f32 v37, v45  }
0xdf: {  	v48 =	vmul.f32 v49, v48;
	v45 =	vsub.f32 $1.000000000e+00, v28;
	v46 =	vmul.f32 v43, v23;
	v23 =	vmovc v11;
	v11 =	vmovc v22  }
0xe0: {  	v38 =	vadd.s32 v33, v38;
	v22 =	vmovc v17;
	v49 =	vmul.f32 v39, v50;
	v17 =	vtrunc.f32 v24  }
0xe1: {  	v37 =	vmul.f32 v37, v41  }
0xe2: {  	v47 =	vadd.f32 v48, v47  }
0xe3: {  	v48 =	vmul.f32 v43, v42;
	v39 =	vmul.f32 v39, v44;
	v37 =	vadd.f32 v40, v37  }
0xe4: {  	v50 =	vadd.f32 v46, v49  }
0xe5: {  	v41 =	vmul.f32 v47, v45;
	v51 =	vadd.f32 v48, v39;
	v28 =	vmul.f32 v37, v28;
	_ =	sdelay $0x1  }
0xe6: {  	v19 =	vmul.f32 v50, v19;
	v34 =	vmul.f32 v51, v34;
	v28 =	vadd.f32 v28, v41;
	_ =	sdelay $0x1  }
0xe7: {  	v19 =	vadd.f32 v19, v34;
	v28 =	vadd.f32 $0.0e+00, v28;
	_ =	sdelay $0x1  }
0xe8: {  	v19 =	vadd.f32 v28, v19  }
0xe9: {  	v52 =	vadd.s32 $0xFFFF3C85, v16  }
0xea: {  	v53 =	vadd.s32 $0xFFFF3C86, v16;
	[tilespmem:s26+$0x1AE10] =	vst v19  }
0xeb: {  	v19 =	vld.idx.msk [tilespmem:v32+s12+$0x0], $0xffff  }
0xec: {  	v54 =	vadd.s32 $0xFFFF3C03, v16;
	v31 =	vld.idx.msk [tilespmem:v31+s12+$0x0], $0xffff  }
0xed: {  	v55 =	vadd.s32 $0xFFFF3C04, v16;
	v29 =	vld.idx.msk [tilespmem:v29+s12+$0x0], $0xffff  }
0xee: {  	v27 =	vcvt.s32.f32 v27;
	v28 =	vld.idx.msk [tilespmem:v52+s14+$0x0], $0xffff  }
0xef: {  	v34 =	vld.idx.msk [tilespmem:v53+s14+$0x0], $0xffff  }
0xf0: {  	v8 =	vsub.f32 v8, v27;
	v56 =	vld.idx.msk [tilespmem:v30+s12+$0x0], $0xffff  }
0xf1: {  	v12 =	vsub.f32 v12, v15;
	v57 =	vld.idx.msk [tilespmem:v54+s14+$0x0], $0xffff  }
0xf2: {  	v58 =	vsub.f32 $1.000000000e+00, v8;
	v59 =	vld.idx.msk [tilespmem:v55+s14+$0x0], $0xffff  }
0xf3: {  	v60 =	vsub.f32 $1.000000000e+00, v12;
	v31 =	vmul.f32 v8, v31  }
0xf4: {  	v29 =	vmul.f32 v58, v29;
	v19 =	vmul.f32 v58, v19  }
0xf5: {  	v8 =	vmul.f32 v8, v56;
	v62 =	vmul.f32 v60, v28  }
0xf6: {  	v61 =	vsub.f32 $1.000000000e+00, v26;
	v63 =	vmul.f32 v12, v34;
	v16 =	vmul.f32 v60, v57  }
0xf7: {  	v12 =	vmul.f32 v12, v59;
	v29 =	vadd.f32 v29, v31;
	v8 =	vadd.f32 v19, v8  }
0xf8: {  	v30 =	vsub.f32 $1.000000000e+00, v20;
	v27 =	vadd.f32 v62, v63  }
0xf9: {  	v12 =	vadd.f32 v16, v12;
	v31 =	vmul.f32 v29, v61;
	v8 =	vmul.f32 v8, v26;
	_ =	sdelay $0x1  }
0xfa: {  	v32 =	vmul.f32 v27, v20;
	v12 =	vmul.f32 v12, v30;
	v8 =	vadd.f32 v8, v31;
	_ =	sdelay $0x1  }
0xfb: {  	v34 =	vadd.s32 $0xFFFCF905, v38;
	v12 =	vadd.f32 v32, v12;
	v8 =	vadd.f32 $0.0e+00, v8  }
0xfc: {  	v37 =	vadd.s32 $0xFFFCF804, v38  }
0xfd: {  	v39 =	vadd.s32 $0xFFFCF803, v38;
	v8 =	vadd.f32 v8, v12  }
0xfe: {  	v40 =	vadd.s32 $0xFFFF3C85, v21  }
0xff: {  	v41 =	vadd.s32 $0xFFFF3C86, v21;
	[tilespmem:s25+$0x1AE10] =	vst v8  }
0x100: {  	v42 =	vadd.s32 $0xFFFCF906, v38;
	v15 =	vld.idx.msk [tilespmem:v34+s12+$0x0], $0xffff  }
0x101: {  	v43 =	vadd.s32 $0xFFFF3C03, v21;
	v16 =	vld.idx.msk [tilespmem:v37+s12+$0x0], $0xffff  }
0x102: {  	v44 =	vadd.s32 $0xFFFF3C04, v21;
	v19 =	vld.idx.msk [tilespmem:v39+s12+$0x0], $0xffff  }
0x103: {  	v45 =	vcvt.s32.f32 v33;
	v12 =	vld.idx.msk [tilespmem:v40+s14+$0x0], $0xffff  }
0x104: {  	v20 =	vld.idx.msk [tilespmem:v41+s14+$0x0], $0xffff  }
0x105: {  	v9 =	vsub.f32 v9, v45;
	v8 =	vld.idx.msk [tilespmem:v42+s12+$0x0], $0xffff  }
0x106: {  	v6 =	vsub.f32 v6, v14;
	v26 =	vld.idx.msk [tilespmem:v43+s14+$0x0], $0xffff  }
0x107: {  	v46 =	vcvt.s32.f32 v36;
	v47 =	vsub.f32 $1.000000000e+00, v9;
	v48 =	vld.idx.msk [tilespmem:v44+s14+$0x0], $0xffff  }
0x108: {  	v49 =	vsub.f32 $1.000000000e+00, v6;
	v16 =	vmul.f32 v9, v16  }
0x109: {  	v7 =	vsub.f32 v7, v46;
	v19 =	vmul.f32 v47, v19;
	v15 =	vmul.f32 v47, v15  }
0x10a: {  	v8 =	vmul.f32 v9, v8;
	v50 =	vmul.f32 v49, v12  }
0x10b: {  	v27 =	vsub.f32 $1.000000000e+00, v7;
	v51 =	vmul.f32 v6, v20;
	v52 =	vmul.f32 v49, v26  }
0x10c: {  	v6 =	vmul.f32 v6, v48;
	v16 =	vadd.f32 v19, v16;
	v8 =	vadd.f32 v15, v8  }
0x10d: {  	v53 =	vcvt.f32.s32 v22;
	v54 =	vsub.f32 $1.000000000e+00, v18;
	v9 =	vadd.f32 v50, v51  }
0x10e: {  	v6 =	vadd.f32 v52, v6;
	v16 =	vmul.f32 v16, v27;
	v7 =	vmul.f32 v8, v7  }
0x10f: {  	v55 =	vcvt.f32.s32 v23;
	v56 =	vmul.u32 $0x102, v53  }
0x110: {  	v9 =	vmul.f32 v9, v18;
	v6 =	vmul.f32 v6, v54;
	v7 =	vadd.f32 v7, v16  }
0x111: {  	v12 =	vadd.s32 v55, v56  }
0x112: {  	v57 =	vadd.s32 $0xFFFCF905, v12;
	v6 =	vadd.f32 v9, v6;
	v7 =	vadd.f32 $0.0e+00, v7  }
0x113: {  	v58 =	vadd.s32 $0xFFFCF804, v12  }
0x114: {  	v59 =	vadd.s32 $0xFFFCF803, v12;
	v6 =	vadd.f32 v7, v6  }
0x115: {  	v60 =	vadd.s32 $0xFFFF3C85, v13  }
0x116: {  	v61 =	vadd.s32 $0xFFFF3C86, v13;
	[tilespmem:s24+$0x1AE10] =	vst v6  }
0x117: {  	v62 =	vadd.s32 $0xFFFCF906, v12;
	v63 =	vld.idx.msk [tilespmem:v57+s12+$0x0], $0xffff  }
0x118: {  	v23 =	vadd.s32 $0xFFFF3C03, v13;
	v9 =	vld.idx.msk [tilespmem:v58+s12+$0x0], $0xffff  }
0x119: {  	v26 =	vadd.s32 $0xFFFF3C04, v13;
	v16 =	vld.idx.msk [tilespmem:v59+s12+$0x0], $0xffff  }
0x11a: {  	v8 =	vcvt.s32.f32 v55;
	v7 =	vld.idx.msk [tilespmem:v60+s14+$0x0], $0xffff  }
0x11b: {  	v18 =	vld.idx.msk [tilespmem:v61+s14+$0x0], $0xffff  }
0x11c: {  	v4 =	vsub.f32 v4, v8;
	v6 =	vld.idx.msk [tilespmem:v62+s12+$0x0], $0xffff  }
0x11d: {  	v5 =	vsub.f32 v5, v10;
	v3 =	vsub.f32 v3, v25;
	v14 =	vcvt.s32.f32 v53;
	v15 =	vld.idx.msk [tilespmem:v23+s14+$0x0], $0xffff  }
0x11e: {  	v37 =	vcvt.f32.s32 v17;
	v41 =	vcvt.f32.s32 v11;
	v29 =	vsub.f32 $1.000000000e+00, v4;
	v30 =	vld.idx.msk [tilespmem:v26+s14+$0x0], $0xffff  }
0x11f: {  	v32 =	vsub.f32 $1.000000000e+00, v5;
	v27 =	vmul.f32 $5.000000000e-01, v35;
	v9 =	vmul.f32 v4, v9  }
0x120: {  	v2 =	vsub.f32 v2, v14;
	v16 =	vmul.f32 v29, v16;
	v12 =	vmul.f32 v29, v63  }
0x121: {  	v38 =	vsub.f32 $1.000000000e+00, v3;
	v4 =	vmul.f32 v4, v6;
	v34 =	vmul.f32 v32, v7  }
0x122: {  	v33 =	vsub.f32 $1.000000000e+00, v2;
	v35 =	vmul.f32 v5, v18;
	v36 =	vmul.f32 v32, v15  }
0x123: {  	v5 =	vmul.f32 v5, v30;
	v9 =	vadd.f32 v16, v9;
	v4 =	vadd.f32 v12, v4  }
0x124: {  	v42 =	vmul.u32 $0x102, v37;
	v31 =	vtrunc.f32 v27;
	v6 =	vadd.f32 v34, v35  }
0x125: {  	v39 =	vadd.f32 v36, v5;
	v9 =	vmul.f32 v9, v33;
	v2 =	vmul.f32 v4, v2  }
0x126: {  	v28 =	vtrunc.f32 v0;
	v11 =	vadd.s32 v41, v42;
	v40 =	vcvt.f32.s32 v31  }
0x127: {  	v3 =	vmul.f32 v6, v3;
	v4 =	vmul.f32 v39, v38;
	v2 =	vadd.f32 v2, v9  }
0x128: {  	v43 =	vcvt.f32.s32 v28;
	v45 =	vadd.s32 $0xFFFCF905, v11  }
0x129: {  	v44 =	vmul.u32 $0x82, v40;
	v3 =	vadd.f32 v3, v4;
	v2 =	vadd.f32 $0.0e+00, v2  }
0x12a: {  	v46 =	vadd.s32 $0xFFFCF804, v11  }
0x12b: {  	v47 =	vadd.s32 $0xFFFCF803, v11;
	v9 =	vadd.s32 v43, v44;
	v2 =	vadd.f32 v2, v3  }
0x12c: {  	v48 =	vadd.s32 $0xFFFF3C85, v9  }
0x12d: {  	v49 =	vadd.s32 $0xFFFF3C86, v9;
	[tilespmem:s23+$0x1AE10] =	vst v2  }
0x12e: {  	v50 =	vadd.s32 $0xFFFCF906, v11;
	v51 =	vld.idx.msk [tilespmem:v45+s12+$0x0], $0xffff  }
0x12f: {  	v52 =	vadd.s32 $0xFFFF3C03, v9;
	v4 =	vld.idx.msk [tilespmem:v46+s12+$0x0], $0xffff  }
0x130: {  	v9 =	vadd.s32 $0xFFFF3C04, v9;
	v13 =	vld.idx.msk [tilespmem:v47+s12+$0x0], $0xffff  }
0x131: {  	v7 =	vcvt.s32.f32 v41;
	v3 =	vld.idx.msk [tilespmem:v48+s14+$0x0], $0xffff  }
0x132: {  	v6 =	vcvt.s32.f32 v43;
	v14 =	vld.idx.msk [tilespmem:v49+s14+$0x0], $0xffff  }
0x133: {  	v1 =	vsub.f32 v1, v7;
	v2 =	vld.idx.msk [tilespmem:v50+s12+$0x0], $0xffff  }
0x134: {  	v56 =	vsub.f32 v0, v6;
	v54 =	vld.idx.msk [tilespmem:v52+s14+$0x0], $0xffff  }
0x135: {  	v53 =	vcvt.s32.f32 v37;
	v55 =	vsub.f32 $1.000000000e+00, v1;
	v57 =	vld.idx.msk [tilespmem:v9+s14+$0x0], $0xffff  }
0x136: {  	v5 =	vcvt.s32.f32 v40;
	v58 =	vsub.f32 $1.000000000e+00, v56;
	v4 =	vmul.f32 v1, v4  }
0x137: {  	v7 =	vsub.f32 v24, v53;
	v59 =	vmul.f32 v55, v13;
	v11 =	vmul.f32 v55, v51  }
0x138: {  	v5 =	vsub.f32 v27, v5;
	v1 =	vmul.f32 v1, v2;
	v61 =	vmul.f32 v58, v3  }
0x139: {  	v60 =	vsub.f32 $1.000000000e+00, v7;
	v62 =	vmul.f32 v56, v14;
	v8 =	vmul.f32 v58, v54  }
0x13a: {  	v0 =	vmul.f32 v56, v57;
	v4 =	vadd.f32 v59, v4;
	v1 =	vadd.f32 v11, v1  }
0x13b: {  	v63 =	vsub.f32 $1.000000000e+00, v5;
	v2 =	vadd.f32 v61, v62  }
0x13c: {  	v0 =	vadd.f32 v8, v0;
	v4 =	vmul.f32 v4, v60;
	v1 =	vmul.f32 v1, v7;
	_ =	sdelay $0x1  }
0x13d: {  	v2 =	vmul.f32 v2, v5;
	v0 =	vmul.f32 v0, v63;
	v1 =	vadd.f32 v1, v4;
	_ =	sdelay $0x1  }
0x13e: {  	v0 =	vadd.f32 v2, v0;
	v1 =	vadd.f32 $0.0e+00, v1;
	_ =	sdelay $0x1  }
0x13f: {  	v0 =	vadd.f32 v1, v0;
	_ =	sdelay $0x1  }
0x140: {  	[tilespmem:s22+$0x1AE10] =	vst v0;
	s22 =	simm.s32 $0x40  }
.LBB2_11:
0x141: {  	p0 =	sne.s32 s22, $0x1  }
.Ltmp4:
0x142: {  	_ = 	snop;
	(pc) =	sbr.rel @p0 .LBB2_11-.Ltmp4, $4  }
0x143: {  	_ = 	snop  }
0x144: {  	_ =	swait.ge [sflag:s17], $0x80  }
0x145: {  	[sflag:s17] =	ssyncset.done $0x0  }
0x146: {  	s22 =	sadd.s32 $0xFFFFFFFF, s22;
	[sflag:s17] =	ssyncadd.s32 $0xFFFFFF80  }
0x147: {  	s22 =	simm.s32 $0x0  }
0x148: {  	v1 =	vld [tilespmem:s22+$0x5800]  }
0x149: {  	v2 =	vld [tilespmem:s22+$0x5400]  }
0x14a: {  	v3 =	vld [tilespmem:s22+$0x3800]  }
0x14b: {  	v0 =	vld [tilespmem:s22+$0x3C00]  }
0x14c: {  	v4 =	vld [tilespmem:s22+$0x5000]  }
0x14d: {  	v5 =	vld [tilespmem:s22+$0x2800]  }
0x14e: {  	v6 =	vld [tilespmem:s22+$0x2C00]  }
0x14f: {  	v7 =	vld [tilespmem:s22+$0x3400]  }
0x150: {  	v8 =	vld [tilespmem:s22+$0x4800]  }
0x151: {  	v9 =	vld [tilespmem:s22+$0x4C00]  }
0x152: {  	v10 =	vld [tilespmem:s22+$0x3000]  }
0x153: {  	v11 =	vld [tilespmem:s22+$0x4400]  }
0x154: {  	v12 =	vld [tilespmem:s22+$0x4000]  }
0x155: {  	v13 =	vld [tilespmem:s22+$0x5C00];
	v8 =	vsub.f32 $1.000000000e+00, v8;
	v14 =	vmul.f32 v0, v2  }
0x156: {  	v15 =	vld [tilespmem:s22+$0x6000];
	v6 =	vmul.f32 v6, v4;
	v4 =	vmul.f32 v7, v4;
	v7 =	vsub.f32 $1.000000000e+00, v9  }
0x157: {  	s23 =	simm.s32 $0x10;
	v9 =	vld [tilespmem:s22+$0x6400];
	v5 =	vmul.f32 v5, v8;
	v8 =	vmul.f32 v10, v8  }
0x158: {  	v0 =	vld [tilespmem:s23+$0x5800];
	v11 =	vmul.f32 v11, v2;
	v10 =	vsub.f32 $1.000000000e+00, v1;
	v3 =	vmul.f32 v3, v7  }
0x159: {  	v2 =	vld [tilespmem:s23+$0x3800];
	v5 =	vadd.f32 v6, v5;
	v4 =	vadd.f32 v4, v8;
	v6 =	vmul.f32 v12, v7  }
0x15a: {  	v63 =	vsub.f32 $1.000000000e+00, v13;
	v7 =	vld [tilespmem:s22+$0x1AE10];
	v8 =	vadd.f32 v14, v3  }
0x15b: {  	v1 =	vld [tilespmem:s23+$0x5400];
	v10 =	vmul.f32 v5, v10;
	v4 =	vmul.f32 v4, v15;
	v6 =	vadd.f32 v11, v6  }
0x15c: {  	v3 =	vld [tilespmem:s23+$0x5000]  }
0x15d: {  	v5 =	vld [tilespmem:s23+$0x3C00];
	v11 =	vmul.f32 v8, v63;
	v10 =	vadd.f32 v4, v10;
	v9 =	vmul.f32 v6, v9  }
0x15e: {  	v4 =	vld [tilespmem:s23+$0x2800]  }
0x15f: {  	v6 =	vld [tilespmem:s23+$0x2C00];
	v8 =	vadd.f32 v10, v7;
	v9 =	vadd.f32 v9, v11  }
0x160: {  	s24 =	simm.s32 $0x80;
	v7 =	vld [tilespmem:s23+$0x3400]  }
.LBB2_13:
0x161: {  	p0 =	sne.s32 s24, $0xFC0;
	v10 =	vld [tilespmem:s23+$0x4800];
	v8 =	vadd.f32 v9, v8  }
0x162: {  	v9 =	vld [tilespmem:s23+$0x4C00]  }
0x163: {  	v11 =	vld [tilespmem:s23+$0x3000];
	[tilespmem:s22+$0x1AE10] =	vst v8;
	s22 =	smov.u32 s23  }
0x164: {  	v8 =	vld [tilespmem:s22+$0x4400]  }
0x165: {  	v12 =	vld [tilespmem:s22+$0x4000]  }
0x166: {  	v5 =	vmul.f32 v5, v1;
	v10 =	vsub.f32 $1.000000000e+00, v10;
	v13 =	vld [tilespmem:s22+$0x5C00]  }
0x167: {  	v6 =	vmul.f32 v6, v3;
	v3 =	vmul.f32 v7, v3;
	v14 =	vld [tilespmem:s22+$0x6000];
	v7 =	vsub.f32 $1.000000000e+00, v9  }
0x168: {  	s23 =	sshra.s32 s24, $0x2;
	v4 =	vmul.f32 v4, v10;
	v9 =	vmul.f32 v11, v10;
	v10 =	vld [tilespmem:s22+$0x6400]  }
0x169: {  	v11 =	vsub.f32 $1.000000000e+00, v0;
	v0 =	vld [tilespmem:s23+$0x5800];
	v2 =	vmul.f32 v2, v7;
	v8 =	vmul.f32 v8, v1  }
0x16a: {  	v1 =	vld [tilespmem:s23+$0x5400];
	v4 =	vadd.f32 v6, v4;
	v3 =	vadd.f32 v3, v9;
	v6 =	vmul.f32 v12, v7  }
0x16b: {  	v7 =	vld [tilespmem:s22+$0x1AE10];
	v9 =	vadd.f32 v5, v2;
	v12 =	vsub.f32 $1.000000000e+00, v13  }
0x16c: {  	v2 =	vld [tilespmem:s23+$0x3800];
	v4 =	vmul.f32 v4, v11;
	v11 =	vmul.f32 v3, v14;
	v6 =	vadd.f32 v8, v6  }
.Ltmp5:
0x16d: {  	v5 =	vld [tilespmem:s23+$0x3C00];
	(pc) =	sbr.rel @p0 .LBB2_13-.Ltmp5, $4  }
0x16e: {  	v9 =	vmul.f32 v9, v12;
	v3 =	vld [tilespmem:s23+$0x5000];
	v8 =	vadd.f32 v11, v4;
	v10 =	vmul.f32 v6, v10  }
0x16f: {  	v4 =	vld [tilespmem:s23+$0x2800]  }
0x170: {  	v6 =	vld [tilespmem:s23+$0x2C00];
	v8 =	vadd.f32 v8, v7;
	v9 =	vadd.f32 v10, v9  }
0x171: {  	s24 =	sadd.s32 $0x40, s24;
	v7 =	vld [tilespmem:s23+$0x3400]  }
0x172: {  	v10 =	vld [tilespmem:s23+$0x4800];
	v8 =	vadd.f32 v9, v8  }
0x173: {  	v55 =	vld [tilespmem:s23+$0x4C00]  }
0x174: {  	v11 =	vld [tilespmem:s23+$0x3000];
	[tilespmem:s22+$0x1AE10] =	vst v8  }
0x175: {  	v8 =	vld [tilespmem:s23+$0x4400]  }
0x176: {  	v12 =	vld [tilespmem:s23+$0x4000]  }
0x177: {  	v5 =	vmul.f32 v5, v1;
	v13 =	vld [tilespmem:s23+$0x5C00];
	v10 =	vsub.f32 $1.000000000e+00, v10  }
0x178: {  	v14 =	vld [tilespmem:s23+$0x6000];
	v6 =	vmul.f32 v6, v3;
	v56 =	vmul.f32 v7, v3;
	v57 =	vsub.f32 $1.000000000e+00, v55  }
0x179: {  	v4 =	vmul.f32 v4, v10;
	v58 =	vmul.f32 v11, v10  }
0x17a: {  	v0 =	vsub.f32 $1.000000000e+00, v0;
	v59 =	vld [tilespmem:s23+$0x6400];
	v2 =	vmul.f32 v2, v57;
	v60 =	vmul.f32 v8, v1  }
0x17b: {  	v61 =	vmul.f32 v12, v57;
	v4 =	vadd.f32 v6, v4;
	v3 =	vadd.f32 v56, v58  }
0x17c: {  	v62 =	vld [tilespmem:s23+$0x1AE10];
	v63 =	vsub.f32 $1.000000000e+00, v13;
	v2 =	vadd.f32 v5, v2  }
0x17d: {  	v1 =	vadd.f32 v60, v61;
	v0 =	vmul.f32 v4, v0;
	v3 =	vmul.f32 v3, v14;
	_ =	sdelay $0x1  }
0x17e: {  	v2 =	vmul.f32 v2, v63;
	v1 =	vmul.f32 v1, v59;
	v0 =	vadd.f32 v3, v0;
	_ =	sdelay $0x1  }
0x17f: {  	v1 =	vadd.f32 v1, v2;
	v0 =	vadd.f32 v0, v62;
	_ =	sdelay $0x1  }
0x180: {  	s20 =	sadd.s32 $0x1, s20;
	v0 =	vadd.f32 v1, v0  }
0x181: {  	p0 =	sne.s32 s20, $0x20  }
.Ltmp6:
0x182: {  	s21 =	sadd.s32 s1, s21;
	[tilespmem:s23+$0x1AE10] =	vst v0;
	(pc) =	sbr.rel @p0 .LBB2_2-.Ltmp6, $4  }
0x183: {  	[hbm4b:s21+s2] =	stream.linear.scatter [tilespmem:s18], [sflag:$0x2], $0x400, $0x38;
	[tilespmem:$0x1B210] =	vst v63  }
0x184: {  	_ =	swait.ge [sflag:s13], $0x400  }
0x185: {  	[sflag:s13] =	ssyncset.done $0x0  }
0x186: {  	[sflag:s13] =	ssyncadd.s32 $0xFFFFFC00  }
0x187: {  	s19 =	sadd.s32 $0x1, s19  }
0x188: {  	p0 =	sne.s32 s19, s11  }
.Ltmp7:
0x189: {  	_ = 	snop;
	(pc) =	sbr.rel @p0 .LBB2_1-.Ltmp7, $1  }
0x18a: {  	_ =	sdelay $0x3  }
0x18b: {  	_ =	sfence.sel $0x180000  }
0x18c: {  	[bflag:$0x0] =	sbarrier.arrive $0xFFFF  }
0x18d: {  	p0 =	sne.s32 s5, $0x0;
	_ =	strace $0x9000004A  }
0x18e: {  	s0 =	sadd.s32 @!p0 $0x100000, s0;
	[bflag:$0x2] =	sbarrier.arrive $0xFFFF  }
0x18f: {  	[sflag:s0] =	ssyncadd.tile.s32 @!p0 $0x1;
	_ =	shalt  }
.Lfunc_end2:
_tile_overlayer_lowered:
.L_overlay_start_2:
0x190: {  	(tag) =	ssettag $0x2  }
0x191: {  	s0 =	rddreg [dreg:$0x0];
	s2 =	stileid.u32  }
0x192: {  	s1 =	rddreg [dreg:$0x1];
	p0 =	sne.s32 s2, $0x0  }
0x193: {  	s3 =	rddreg [dreg:$0x2];
	[bflag:$0x3] =	sbarrier.arrive $0xFFFF;
	s2 =	simm.s32 @!p0 $0x1C02  }
0x194: {  	[timem:s3], [sflag:s2] =	dma.local @!p0 [hbm:s0], s1  }
0x195: {  	s0 =	simm.s32 @!p0 $0x2  }
0x196: {  	_ =	swait.ge @!p0 [sflag:s0], s1  }
0x197: {  	s1 =	ssub.s32 @!p0 $0x0, s1;
	[sflag:s0] =	ssyncset.done @!p0 $0x0  }
0x198: {  	[sflag:s0] =	ssyncadd.s32 @!p0 s1  }
0x199: {  	[bflag:$0x3] =	sbarrier.arrive $0xFFFF  }
0x19a: {  	_ =	shalt  }

// kernel: sparse-core-data-format-call.cloned.1.call-start
scs
called_computation_lowered:
.L_overlay_start_0:
0x0: {  	s2 =	sld [smem:$0x3FD9]  }
0x1: {  	s3 =	sld [smem:$0x3FFE];
	_ =	sdelay $0x1  }
0x2: {  	s1 =	srdreg.scid  }
0x3: {  	s0 =	sand.u32 $0x1, s1  }
0x4: {  	s18 =	sshll.u32 s0, $0xA;
	s2 =	sadd.s32 s3, s2  }
0x5: {  	s2 =	sadd.s32 s2, s18  }
0x6: {  	[smem:$0x3FC3] =	sst s2  }
0x7: {  	_ = 	snop  }
0x8: {  	s2 =	sld [smem:$0x3FC8];
	(tm) =	ssettm $0x1  }
0x9: {  	s19 =	sld [smem:$0x3FFB];
	_ =	sdelay $0x3  }
0xa: {  	_ =	strace s19  }
0xb: {  	s3 =	sld [smem:$0x3FFC];
	_ =	sdelay $0x3  }
0xc: {  	_ =	strace s3  }
0xd: {  	s3 =	sld [smem:$0x3FFD];
	_ =	sdelay $0x3  }
0xe: {  	_ =	strace s3  }
0xf: {  	_ =	strace $0x8FFFFFFF  }
0x10: {  	s20 =	sld [smem:$0x3FDB];
	_ =	sdelay $0x1  }
0x11: {  	s4 =	simm.s32 $_scs_section_size  }
0x12: {  	s5 =	simm.s32 $_size__tile_overlayer_lowered;
	s6 =	simm.s32 $_tile_overlayer_lowered  }
0x13: {  	s23 =	simm.s32 $0x1BFF;
	s22 =	sshll.u32 s6, $0x1;
	s3 =	sadd.s32 s4, s20  }
0x14: {  	s7 =	simm.s32 $0x0;
	s21 =	sshll.u32 s5, $0x1;
	s5 =	sadd.s32 s22, s3  }
0x15: {  	[timem:s7], [sflag:s23] =	dma.local [hbm:s5], s21  }
0x16: {  	_ =	swait.ge [sflag:s23], s21  }
0x17: {  	s4 =	ssub.s32 $0x0, s21;
	[sflag:s23] =	ssyncset.done $0x0  }
0x18: {  	[sflag:s23] =	ssyncadd.s32 s4;
	_ =	sdelay $0x1  }
0x19: {  	s24 =	simm.s32 $0x1B8B  }
0x1a: {  	_ =	swait.ge [sflag:s24], $0x1  }
0x1b: {  	[sflag:s24] =	ssyncset.done $0x0  }
0x1c: {  	s26 =	simm.s32 $0x1B8E;
	s25 =	sld [smem:$0x3FFE];
	[sflag:s24] =	ssyncadd.s32 $0xFFFFFFFF  }
0x1d: {  	s27 =	simm.s32 $execute0_lowered;
	[smem:$0x3FD2] =	sst s26  }
0x1e: {  	s5 =	sshll.u32 s27, $0x1;
	_ =	strace $0x80000046;
	[dreg:$0x1] =	wrdreg $0xFFFFFFFF  }
0x1f: {  	s28 =	simm.s32 $_size_execute0_lowered;
	s3 =	sadd.s32 s3, s5;
	[dreg:$0x0] =	wrdreg $0x0  }
0x20: {  	s5 =	sshll.u32 s28, $0x1;
	[dreg:$0x2] =	wrdreg s3  }
0x21: {  	[dreg:$0x3] =	wrdreg s5  }
0x22: {  	[dreg:$0x4] =	wrdreg $0xC0  }
0x23: {  	_ =	task [dreg:s7], $0x5FFFF  }
0x24: {  	[dreg:$0x1] =	wrdreg $0xFFFFFFFF  }
0x25: {  	[dreg:$0x0] =	wrdreg $0x60  }
0x26: {  	[dreg:$0x2] =	wrdreg s2  }
0x27: {  	[dreg:$0x3] =	wrdreg s25  }
0x28: {  	[dreg:$0x4] =	wrdreg $0x9  }
0x29: {  	_ =	task.clear_ibuf [dreg:s7], $0x5FFFF;
	_ =	strace $0x90000046  }
0x2a: {  	s29 =	simm.s32 $0x9;
	_ =	strace $0x80000048  }
0x2b: {  	_ =	swait.ge [sflag:s29], $0x1  }
0x2c: {  	[sflag:s29] =	ssyncadd.s32 $0xFFFFFFFF  }
0x2d: {  	_ =	strace $0x90000048  }
0x2e: {  	_ =	sfence  }
0x2f: {  	s30 =	sld [smem:$0x0];
	_ =	sdelay $0x2  }
0x30: {  	s31 =	sshll.u32 s1, $0xD;
	s1 =	sshrl.u32 s1, $0x2  }
0x31: {  	s3 =	sand.u32 $0x4000, s31;
	s1 =	sadd.s32 s1, s30  }
0x32: {  	s0 =	sor.u32 s3, s0;
	s1 =	sshll.u32 s1, $0x11  }
0x33: {  	s0 =	sor.u32 s1, s0  }
0x34: {  	s0 =	sadd.s32 $0x8F2B, s0  }
0x35: {  	[sflag:s0] =	ssyncadd.remote.s32 $0x1  }
0x36: {  	_ =	sfence.sel $0xFFFF  }
0x37: {  	[dreg:$0x0] =	wrdreg $0xFFFFFFFF;
	(pc) =	sbr.abs _section_cstart, $3  }
0x38: {  	[dreg:$0x1] =	wrdreg $0xFFFFFFFF  }
0x39: {  	_ =	task.clear_ibuf [dreg:s7], $0x2FFFF;
	_ =	strace $0x9FFFFFFF  }
0x3a: {  	(tm) =	ssettm $0x7FFFFFFF  }
0x3b: {  	_ =	shalt  }
tec
execute0_lowered:
.L_overlay_start_1:
0x0: {  	(tag) =	ssettag $0x1  }
0x1: {  	s2 =	rddreg [dreg:$0x0]  }
0x2: {  	s1 =	rddreg [dreg:$0x1]  }
0x3: {  	s0 =	rddreg [dreg:$0x2];
	_ =	strace $0x80000047;
	s4 =	srdreg.scid  }
0x4: {  	s6 =	simm.s32 $0x2;
	s11 =	simm.s32 $0x0;
	p0 =	por $0x0, $0x0  }
.Ltmp0:
0x5: {  	s7 =	simm.s32 $0x1000;
	s12 =	simm.s32 $0x0;
	(pc) =	sbr.rel .LBB1_1-.Ltmp0, $4  }
0x6: {  	s9 =	simm.s32 $0x0;
	s3 =	sadd.s32 $0x1C00, s1;
	s5 =	sshll.u32 s4, $0x4  }
0x7: {  	s1 =	stileid.u32;
	s4 =	simm.s32 $0x1;
	s5 =	sand.u32 $0x10, s5  }
0x8: {  	s8 =	simm.s32 $0x0;
	[sflag:s4] =	ssyncpa.u1 $0x0;
	s5 =	sor.u32 s1, s5  }
0x9: {  	[sflag:s6] =	ssyncpa.u1 $0x0;
	s6 =	simm.s32 $0x800;
	s10 =	smov.u32 s5  }
.LBB1_7:
0xa: {  	s13 =	sadd.s32 $0x10, s9  }
0xb: {  	s11 =	sadd.s32 $0x20, s10;
	s15 =	smov.u32 s10;
	p2 =	sgt.s32 s13, $0x1F  }
0xc: {  	p1 =	slt.u32 s8, $0x2;
	s15 =	smov.u32 @p2 s11  }
0xd: {  	s8 =	sadd.s32 $0x1, s8;
	s13 =	simm.s32 @p2 $0x0;
	p2 =	sgt.s32 s15, $0x1FF  }
0xe: {  	s15 =	smov.u32 @p2 s5;
	p2 =	sne.s32 s8, $0x22  }
.Ltmp1:
0xf: {  	_ = 	snop;
	(pc) =	sbr.rel @!p2 .LBB1_8-.Ltmp1, $4  }
0x10: {  	s14 =	simm.s32 @!p1 $0x2  }
0x11: {  	s12 =	smov.u32 s10;
	_ =	swait.ge @!p1 [sflag:s14], $0x4000  }
0x12: {  	p0 =	por !p0, !p0;
	s11 =	smov.u32 s9;
	[sflag:s14] =	ssyncset.done @!p1 $0x0  }
0x13: {  	s9 =	smov.u32 s13;
	[sflag:s14] =	ssyncadd.s32 @!p1 $0xFFFFC000;
	s10 =	smov.u32 s15  }
.LBB1_1:
0x14: {  	p1 =	sgt.u32 s8, $0x1F  }
0x15: {  	s13 =	sxor.u32 @!p1 $0xFFFFFFFF, s8;
	s14 =	sshll.u32 @!p1 s10, $0xC  }
0x16: {  	s15 =	sshll.u32 @!p1 s9, $0x7;
	s13 =	sshll.u32 @!p1 s13, $0xE;
	s14 =	sadd.s32 @!p1 s2, s14  }
0x17: {  	s13 =	sand.u32 @!p1 $0x4000, s13;
	s14 =	sadd.s32 @!p1 s15, s14;
	s15 =	simm.s32 @!p1 $0x0  }
0x18: {  	[tilespmem:s13], [sflag:$0x1] =	stream.linear.gather @!p1 [hbm4b:s14+s15], $0x4000, $0x38;
	[tilespmem:$0x10000] =	vst v63  }
0x19: {  	p1 =	seq.s32 s8, $0x0  }
0x1a: {  	p2 =	seq.s32 @!p1 s8, $0x21  }
0x1b: {  	p1 =	por p1, p2  }
.Ltmp2:
0x1c: {  	_ = 	snop;
	(pc) =	sbr.rel @p1 .LBB1_7-.Ltmp2, $1  }
0x1d: {  	_ =	sdelay $0x3  }
0x1e: {  	s13 =	simm.s32 $0x1;
	_ =	swait.ge [sflag:s4], $0x4000;
	s16 =	sshll.u32 s8, $0xE  }
0x1f: {  	s13 =	simm.s32 @!p0 $0x0;
	[sflag:s4] =	ssyncset.done $0x0;
	s31 =	sand.u32 $0x4000, s16  }
0x20: {  	s16 =	simm.s32 $0x0;
	s14 =	sshll.u32 s13, $0xE;
	[sflag:s4] =	ssyncadd.s32 $0xFFFFC000  }
0x21: {  	s13 =	sor.u32 $0x8040, s14;
	s15 =	sor.u32 $0x40, s14;
	s14 =	sor.u32 $0x8000, s31  }
.LBB1_3:
0x22: {  	v0 =	vmov s15;
	_ =	sdelay $0x3  }
0x23: {  	s18 =	simm.s32 $0x0  }
0x24: {  	v6 =	vld.idx.msk [tilespmem:v0+s18+$0x30 ss:$0x1], $0xffff  }
0x25: {  	v7 =	vld.idx.msk [tilespmem:v0+s18+$0xFFFFFFC0 ss:$0x1], $0xffff  }
0x26: {  	v5 =	vld.idx.msk [tilespmem:v0+s18+$0xFFFFFFD0 ss:$0x1], $0xffff  }
0x27: {  	v4 =	vld.idx.msk [tilespmem:v0+s18+$0xFFFFFFE0 ss:$0x1], $0xffff  }
0x28: {  	v3 =	vld.idx.msk [tilespmem:v0+s18+$0xFFFFFFF0 ss:$0x1], $0xffff  }
0x29: {  	v1 =	vld.idx.msk [tilespmem:v0+s18+$0x0 ss:$0x1], $0xffff  }
0x2a: {  	v2 =	vld.idx.msk [tilespmem:v0+s18+$0x10 ss:$0x1], $0xffff;
	[tilespmem:s13+$0x30] =	vst v6  }
0x2b: {  	s17 =	simm.s32 $0x80;
	s19 =	simm.s32 $0x400;
	[tilespmem:s13+$0xFFFFFFC0] =	vst v7;
	v6 =	vld.idx.msk [tilespmem:v0+s18+$0x20 ss:$0x1], $0xffff;
	s18 =	smov.u32 s13  }
.LBB1_4:
0x2c: {  	p1 =	sne.s32 s19, $0xE00;
	v7 =	vld.idx.msk [tilespmem:v0+s17+$0x30 ss:$0x1], $0xffff;
	[tilespmem:s18+$0xFFFFFFD0] =	vst v5  }
0x2d: {  	v8 =	vld.idx.msk [tilespmem:v0+s17+$0xFFFFFFC0 ss:$0x1], $0xffff;
	[tilespmem:s18+$0xFFFFFFE0] =	vst v4  }
0x2e: {  	v5 =	vld.idx.msk [tilespmem:v0+s17+$0xFFFFFFD0 ss:$0x1], $0xffff;
	[tilespmem:s18+$0xFFFFFFF0] =	vst v3  }
.Ltmp3:
0x2f: {  	v4 =	vld.idx.msk [tilespmem:v0+s17+$0xFFFFFFE0 ss:$0x1], $0xffff;
	[tilespmem:s18+$0x0] =	vst v1;
	(pc) =	sbr.rel @p1 .LBB1_4-.Ltmp3, $4  }
0x30: {  	v3 =	vld.idx.msk [tilespmem:v0+s17+$0xFFFFFFF0 ss:$0x1], $0xffff;
	[tilespmem:s18+$0x10] =	vst v2  }
0x31: {  	v1 =	vld.idx.msk [tilespmem:v0+s17+$0x0 ss:$0x1], $0xffff;
	[tilespmem:s18+$0x20] =	vst v6;
	s18 =	sadd.s32 $0x800, s18  }
0x32: {  	v2 =	vld.idx.msk [tilespmem:v0+s17+$0x10 ss:$0x1], $0xffff;
	[tilespmem:s18+$0x30] =	vst v7  }
0x33: {  	[tilespmem:s18+$0xFFFFFFC0] =	vst v8;
	v6 =	vld.idx.msk [tilespmem:v0+s17+$0x20 ss:$0x1], $0xffff;
	s17 =	sshra.s32 s19, $0x2;
	s19 =	sadd.s32 $0x200, s19  }
0x34: {  	_ =	sdelay $0x2  }
0x35: {  	[tilespmem:s18+$0xFFFFFFD0] =	vst v5  }
0x36: {  	v56 =	vld.idx.msk [tilespmem:v0+s17+$0x30 ss:$0x1], $0xffff;
	[tilespmem:s18+$0xFFFFFFE0] =	vst v4  }
0x37: {  	v57 =	vld.idx.msk [tilespmem:v0+s17+$0xFFFFFFC0 ss:$0x1], $0xffff;
	[tilespmem:s18+$0xFFFFFFF0] =	vst v3  }
0x38: {  	v58 =	vld.idx.msk [tilespmem:v0+s17+$0xFFFFFFD0 ss:$0x1], $0xffff;
	[tilespmem:s18+$0x0] =	vst v1  }
0x39: {  	v59 =	vld.idx.msk [tilespmem:v0+s17+$0xFFFFFFE0 ss:$0x1], $0xffff;
	[tilespmem:s18+$0x10] =	vst v2  }
0x3a: {  	v60 =	vld.idx.msk [tilespmem:v0+s17+$0xFFFFFFF0 ss:$0x1], $0xffff;
	s31 =	sadd.s32 $0x800, s18;
	[tilespmem:s18+$0x20] =	vst v6  }
0x3b: {  	v61 =	vld.idx.msk [tilespmem:v0+s17+$0x0 ss:$0x1], $0xffff;
	[tilespmem:s31+$0x30] =	vst v56  }
0x3c: {  	v62 =	vld.idx.msk [tilespmem:v0+s17+$0x10 ss:$0x1], $0xffff;
	s16 =	sadd.s32 $0x1, s16;
	[tilespmem:s31+$0xFFFFFFC0] =	vst v57  }
0x3d: {  	v63 =	vld.idx.msk [tilespmem:v0+s17+$0x20 ss:$0x1], $0xffff;
	p1 =	sne.s32 s16, $0x10;
	[tilespmem:s31+$0xFFFFFFD0] =	vst v58  }
.Ltmp4:
0x3e: {  	[tilespmem:s31+$0xFFFFFFE0] =	vst v59;
	(pc) =	sbr.rel @p1 .LBB1_3-.Ltmp4, $4  }
0x3f: {  	[tilespmem:s31+$0xFFFFFFF0] =	vst v60  }
0x40: {  	[tilespmem:s31+$0x0] =	vst v61  }
0x41: {  	[tilespmem:s31+$0x10] =	vst v62  }
0x42: {  	s13 =	sadd.s32 $0x80, s13;
	s15 =	sadd.s32 $0x400, s15;
	[tilespmem:s31+$0x20] =	vst v63  }
.Ltmp5:
0x43: {  	(pc) =	sbr.rel .LBB1_7-.Ltmp5, $4  }
0x44: {  	s12 =	sshll.u32 s12, $0xC;
	s11 =	sshll.u32 s11, $0x4  }
0x45: {  	s11 =	sand.u32 $0x1F0, s11;
	s12 =	sadd.s32 s3, s12  }
0x46: {  	s11 =	sadd.s32 s11, s12  }
0x47: {  	[hbm4b:s11+s6] =	stream.strided.scatter [tilespmem:s14], [sflag:$0x2], $0x4000, s7, s6, $0x38;
	[tilespmem:$0x10000] =	vst v63  }
.LBB1_8:
0x48: {  	_ =	sfence.sel $0x180000  }
0x49: {  	s2 =	simm.s32 $0x1;
	[bflag:$0x0] =	sbarrier.arrive $0xFFFF  }
0x4a: {  	s31 =	simm.s32 $0x2;
	[sflag:s2] =	ssyncpa.u1 $0x1  }
0x4b: {  	[sflag:s31] =	ssyncpa.u1 $0x1  }
0x4c: {  	p0 =	sne.s32 s1, $0x0;
	_ =	strace $0x90000047  }
0x4d: {  	s0 =	sadd.s32 @!p0 $0x100000, s0;
	[bflag:$0x2] =	sbarrier.arrive $0xFFFF  }
0x4e: {  	[sflag:s0] =	ssyncadd.tile.s32 @!p0 $0x1;
	_ =	shalt  }
.Lfunc_end1:
_tile_overlayer_lowered:
.L_overlay_start_2:
0x4f: {  	(tag) =	ssettag $0x2  }
0x50: {  	s0 =	rddreg [dreg:$0x0];
	s2 =	stileid.u32  }
0x51: {  	s1 =	rddreg [dreg:$0x1];
	p0 =	sne.s32 s2, $0x0  }
0x52: {  	s3 =	rddreg [dreg:$0x2];
	[bflag:$0x3] =	sbarrier.arrive $0xFFFF;
	s2 =	simm.s32 @!p0 $0x1C01  }
0x53: {  	[timem:s3], [sflag:s2] =	dma.local @!p0 [hbm:s0], s1  }
0x54: {  	s0 =	simm.s32 @!p0 $0x1  }
0x55: {  	_ =	swait.ge @!p0 [sflag:s0], s1  }
0x56: {  	s1 =	ssub.s32 @!p0 $0x0, s1;
	[sflag:s0] =	ssyncset.done @!p0 $0x0  }
0x57: {  	[sflag:s0] =	ssyncadd.s32 @!p0 s1  }
0x58: {  	[bflag:$0x3] =	sbarrier.arrive $0xFFFF  }
0x59: {  	_ =	shalt  }

</sc_bundles>
